<compile_context>
chip_gen: v7x
topology: tpu7x:2x2x1
jax: 0.10.2.dev20260603
libtpu: 0.0.44.dev20260713+nightly
codegen_flags: <defaults>
</compile_context>

<pallas_src>
import functools

import jax
import jax.numpy as jnp
from jax import lax
from jax.experimental import pallas as pl
from jax.experimental.pallas import tpu as pltpu
from jax.experimental.pallas import tpu_sc as plsc

VOCAB = 100000
EMB = 64
N_CTX = 16384

NW = 32
PER_W = N_CTX // NW
CHUNK = 128
NCHUNK = PER_W // CHUNK

VOCAB_PAD = 100352
STRIPE = VOCAB_PAD // 16

BV = 25088
NBLK = VOCAB_PAD // BV


def _hist_body(idx_hbm, out0_hbm, out1_hbm, idx_v, zbuf, ones_v, shared, sem):
    core = lax.axis_index("c")
    sub = lax.axis_index("s")
    wid = sub * 2 + core

    idx_copies = [
        pltpu.async_copy(
            idx_hbm.at[pl.ds(wid * PER_W + k * CHUNK, CHUNK)], idx_v.at[k], sem
        )
        for k in range(NCHUNK)
    ]

    z16 = jnp.zeros((16,), jnp.float32)

    def zero_body(j, _):
        for u in range(8):
            zbuf[pl.ds(j * 128 + u * 16, 16)] = z16
        return 0

    lax.fori_loop(0, STRIPE // 128, zero_body, 0)
    for j in range(CHUNK // 16):
        ones_v[pl.ds(j * 16, 16)] = z16 + 1.0
    pltpu.sync_copy(zbuf, shared.at[pl.ds(sub * STRIPE, STRIPE)])
    for c in idx_copies:
        c.wait()
    plsc.subcore_barrier()
    for k in range(NCHUNK):
        pltpu.sync_copy(ones_v, shared.at[idx_v.at[k]], add=True)
    plsc.subcore_barrier()

    @pl.when(core == 0)
    def _out0():
        pltpu.sync_copy(
            shared.at[pl.ds(sub * STRIPE, STRIPE)],
            out0_hbm.at[pl.ds(sub * STRIPE, STRIPE)],
        )

    @pl.when(core == 1)
    def _out1():
        pltpu.sync_copy(
            shared.at[pl.ds(sub * STRIPE, STRIPE)],
            out1_hbm.at[pl.ds(sub * STRIPE, STRIPE)],
        )


@functools.cache
def _hist():
    return functools.partial(
        pl.kernel,
        out_type=[
            jax.ShapeDtypeStruct((VOCAB_PAD,), jnp.float32),
            jax.ShapeDtypeStruct((VOCAB_PAD,), jnp.float32),
        ],
        mesh=plsc.VectorSubcoreMesh(core_axis_name="c", subcore_axis_name="s"),
        scratch_types=[
            pltpu.VMEM((NCHUNK, CHUNK), jnp.int32),
            pltpu.VMEM((STRIPE,), jnp.float32),
            pltpu.VMEM((CHUNK,), jnp.float32),
            pltpu.VMEM_SHARED((VOCAB_PAD,), jnp.float32),
            pltpu.SemaphoreType.DMA,
        ],
    )(_hist_body)


def _tc_body(c0_ref, c1_ref, t_ref, w_ref, b_ref, out_ref, s_acc, mv, sv, logits_s, sm):
    p = pl.program_id(0)
    i = pl.program_id(1)
    lane = lax.broadcasted_iota(jnp.int32, (1, BV), 1)
    nvalid = VOCAB - i * BV

    @pl.when((p == 0) & (i == 0))
    def _init_s():
        s_acc[...] = jnp.zeros((1, EMB), jnp.float32)

    @pl.when((p == 0) & (i < NBLK - 1))
    def _phase0():
        c = c0_ref[...] + c1_ref[...]
        s_acc[...] += lax.dot_general(
            c, t_ref[...], (((1,), (1,)), ((), ())),
            preferred_element_type=jnp.float32,
        )

    @pl.when((p == 0) & (i == NBLK - 1))
    def _phase0_edge():
        c = c0_ref[...] + c1_ref[...]
        t = jnp.where(lane < nvalid, t_ref[...], 0.0)
        s_acc[...] += lax.dot_general(
            c, t, (((1,), (1,)), ((), ())),
            preferred_element_type=jnp.float32,
        )

    @pl.when((p == 1) & (i == 0))
    def _init_ms():
        mv[...] = jnp.full((1, BV), -1e30, jnp.float32)
        sv[...] = jnp.zeros((1, BV), jnp.float32)

    @pl.when(p == 1)
    def _phase1():
        s2 = s_acc[...] * (1.0 / N_CTX)
        l = lax.dot_general(
            s2, w_ref[...], (((1,), (0,)), ((), ())),
            preferred_element_type=jnp.float32,
        ) + b_ref[...]
        l = jnp.where(lane < nvalid, l, -1e30)
        logits_s[i] = l
        m_old = mv[...]
        m_new = jnp.maximum(m_old, l)
        sv[...] = sv[...] * jnp.exp(m_old - m_new) + jnp.exp(l - m_new)
        mv[...] = m_new

    @pl.when((p == 2) & (i == 0))
    def _logz():
        m = jnp.max(mv[...])
        sm[0] = m + jnp.log(jnp.sum(sv[...] * jnp.exp(mv[...] - m)))

    @pl.when(p == 2)
    def _phase2():
        out_ref[...] = logits_s[i] - sm[0]


def _tc_call(c0, c1, tT, wT, b2):
    last = NBLK - 1
    return pl.pallas_call(
        _tc_body,
        grid=(3, NBLK),
        in_specs=[
            pl.BlockSpec((1, BV), lambda p, i: (0, jnp.where(p == 0, i, last))),
            pl.BlockSpec((1, BV), lambda p, i: (0, jnp.where(p == 0, i, last))),
            pl.BlockSpec((EMB, BV), lambda p, i: (0, jnp.where(p == 0, i, last))),
            pl.BlockSpec((EMB, BV), lambda p, i: (0, jnp.where(p == 1, i, jnp.where(p == 0, 0, last)))),
            pl.BlockSpec((1, BV), lambda p, i: (0, jnp.where(p == 1, i, 0))),
        ],
        out_specs=pl.BlockSpec((1, BV), lambda p, i: (0, jnp.where(p == 2, i, 0))),
        out_shape=jax.ShapeDtypeStruct((1, VOCAB), jnp.float32),
        compiler_params=pltpu.CompilerParams(vmem_limit_bytes=100 * 1024 * 1024),
        scratch_shapes=[
            pltpu.VMEM((1, EMB), jnp.float32),
            pltpu.VMEM((1, BV), jnp.float32),
            pltpu.VMEM((1, BV), jnp.float32),
            pltpu.VMEM((NBLK, 1, BV), jnp.float32),
            pltpu.SMEM((2,), jnp.float32),
        ],
    )(c0, c1, tT, wT, b2)


def kernel(indices, emb_table, W, b):
    idx = indices.astype(jnp.int32)
    c0, c1 = _hist()(idx)
    return _tc_call(
        c0.reshape(1, VOCAB_PAD),
        c1.reshape(1, VOCAB_PAD),
        emb_table.T,
        W.T,
        b.reshape(1, VOCAB),
    )

# --- scband reference (transcript-rebuilt; emitter-appended) ---
"""Pipeline reference for scband-cbownaive-51445118272137 (READ-ONLY COPY).

The authoritative reference and input builder live on the scoring server;
editing this copy changes nothing except your own understanding.
"""

import jax, jax.numpy as jnp
import numpy as np

VOCAB = 100000
EMB = 64
N_CTX = 16384

def setup_inputs(seed: int = 0) -> dict:
    key = jax.random.key(seed)
    k1, k2, k3, k4 = jax.random.split(key, 4)
    indices = jax.random.randint(k1, (N_CTX,), 0, VOCAB, dtype=jnp.int64) if jax.config.jax_enable_x64 else jax.random.randint(k1, (N_CTX,), 0, VOCAB, dtype=jnp.int32)
    emb_table = jax.random.normal(k2, (VOCAB, EMB), dtype=jnp.float32)
    bound = 1.0 / np.sqrt(EMB)
    W = jax.random.uniform(k3, (VOCAB, EMB), dtype=jnp.float32, minval=-bound, maxval=bound)
    b = jax.random.uniform(k4, (VOCAB,), dtype=jnp.float32, minval=-bound, maxval=bound)
    return {"indices": indices, "emb_table": emb_table, "W": W, "b": b}

def reference(indices, emb_table, W, b):
    # embeds = self.embedding(input[0]).mean(dim=0).view(1, -1)
    embeds = jnp.take(emb_table, indices, axis=0).mean(axis=0).reshape(1, -1)
    # out = self.linear(embeds)
    out = embeds @ W.T + b
    # log_probs = F.log_softmax(out, dim=1)
    log_probs = jax.nn.log_softmax(out, axis=1)
    return log_probs

if __name__ == "__main__":
    import jax
    _d = setup_inputs()
    print(jax.jit(kernel)(*tuple(_d.values())))

</pallas_src>

<mosaic_0001>
#map = affine_map<(d0, d1) -> (0)>
module attributes {stable_mosaic.version = 14 : i64} {
  func.func @_hist_body(%arg0: i32, %arg1: i32, %arg2: memref<16384xi32, #tpu.memory_space<hbm>>, %arg3: memref<100352xf32, #tpu.memory_space<hbm>>, %arg4: memref<100352xf32, #tpu.memory_space<hbm>>, %arg5: memref<4x128xi32, #tpu.memory_space<vmem>>, %arg6: memref<6272xf32, #tpu.memory_space<vmem>>, %arg7: memref<128xf32, #tpu.memory_space<vmem>>, %arg8: memref<100352xf32, #tpu.memory_space<vmem_shared>>, %arg9: memref<!tpu.dma_semaphore, #tpu.memory_space<semaphore_mem>>) attributes {dimension_semantics = [#tpu.dimension_semantics<core_parallel>, #tpu.dimension_semantics<subcore_parallel>], iteration_bounds = array<i64: 2, 16>, scalar_prefetch = 0 : i64, scratch_operands = 5 : i64, tpu.core_type = #tpu.core_type<sc_vector_subcore>, window_params = [{transform_indices = #map}, {transform_indices = #map}, {transform_indices = #map}]} {
    %mul3A = arith.constant 2 : i32
    %mul3A_0 = arith.muli %arg1, %mul3A : i32
    %add3A = arith.addi %mul3A_0, %arg0 : i32
    %mul3A_1 = arith.constant 512 : i32
    %mul3A_2 = arith.muli %add3A, %mul3A_1 : i32
    %add3A_3 = arith.constant 0 : i32
    %add3A_4 = arith.addi %mul3A_2, %add3A_3 : i32
    %dma_start3A = arith.constant 0 : i32
    %dma_start3A_5 = arith.constant 0 : i32
    %dma_start3A_6 = tpu.memref_slice %arg5[%dma_start3A, %dma_start3A_5] : memref<4x128xi32, #tpu.memory_space<vmem>> -> memref<1x128xi32, #tpu.memory_space<vmem>>
    %dma_start3A_7 = tpu.memref_squeeze %dma_start3A_6 : memref<1x128xi32, #tpu.memory_space<vmem>> -> memref<128xi32, #tpu.memory_space<vmem>>
    %dma_start3A_8 = tpu.memref_slice %arg2[%add3A_4] : memref<16384xi32, #tpu.memory_space<hbm>> -> memref<128xi32, #tpu.memory_space<hbm>>
    %dma_start3A_9 = arith.constant 0 : i32
    %dma_start3A_10 = tpu.memref_slice %arg5[%dma_start3A, %dma_start3A_9] : memref<4x128xi32, #tpu.memory_space<vmem>> -> memref<1x128xi32, #tpu.memory_space<vmem>>
    %dma_start3A_11 = tpu.memref_squeeze %dma_start3A_10 : memref<1x128xi32, #tpu.memory_space<vmem>> -> memref<128xi32, #tpu.memory_space<vmem>>
    %dma_start3A_12 = tpu.memref_slice %arg2[%add3A_4] : memref<16384xi32, #tpu.memory_space<hbm>> -> memref<128xi32, #tpu.memory_space<hbm>>
    tpu.enqueue_dma source(%dma_start3A_12 : memref<128xi32, #tpu.memory_space<hbm>>) target(%dma_start3A_11 : memref<128xi32, #tpu.memory_space<vmem>>) target_semaphore(%arg9 : memref<!tpu.dma_semaphore, #tpu.memory_space<semaphore_mem>>)
    %mul3A_13 = arith.constant 512 : i32
    %mul3A_14 = arith.muli %add3A, %mul3A_13 : i32
    %add3A_15 = arith.constant 128 : i32
    %add3A_16 = arith.addi %mul3A_14, %add3A_15 : i32
    %dma_start3A_17 = arith.constant 1 : i32
    %dma_start3A_18 = arith.constant 0 : i32
    %dma_start3A_19 = tpu.memref_slice %arg5[%dma_start3A_17, %dma_start3A_18] : memref<4x128xi32, #tpu.memory_space<vmem>> -> memref<1x128xi32, #tpu.memory_space<vmem>>
    %dma_start3A_20 = tpu.memref_squeeze %dma_start3A_19 : memref<1x128xi32, #tpu.memory_space<vmem>> -> memref<128xi32, #tpu.memory_space<vmem>>
    %dma_start3A_21 = tpu.memref_slice %arg2[%add3A_16] : memref<16384xi32, #tpu.memory_space<hbm>> -> memref<128xi32, #tpu.memory_space<hbm>>
    %dma_start3A_22 = arith.constant 0 : i32
    %dma_start3A_23 = tpu.memref_slice %arg5[%dma_start3A_17, %dma_start3A_22] : memref<4x128xi32, #tpu.memory_space<vmem>> -> memref<1x128xi32, #tpu.memory_space<vmem>>
    %dma_start3A_24 = tpu.memref_squeeze %dma_start3A_23 : memref<1x128xi32, #tpu.memory_space<vmem>> -> memref<128xi32, #tpu.memory_space<vmem>>
    %dma_start3A_25 = tpu.memref_slice %arg2[%add3A_16] : memref<16384xi32, #tpu.memory_space<hbm>> -> memref<128xi32, #tpu.memory_space<hbm>>
    tpu.enqueue_dma source(%dma_start3A_25 : memref<128xi32, #tpu.memory_space<hbm>>) target(%dma_start3A_24 : memref<128xi32, #tpu.memory_space<vmem>>) target_semaphore(%arg9 : memref<!tpu.dma_semaphore, #tpu.memory_space<semaphore_mem>>)
    %mul3A_26 = arith.constant 512 : i32
    %mul3A_27 = arith.muli %add3A, %mul3A_26 : i32
    %add3A_28 = arith.constant 256 : i32
    %add3A_29 = arith.addi %mul3A_27, %add3A_28 : i32
    %dma_start3A_30 = arith.constant 2 : i32
    %dma_start3A_31 = arith.constant 0 : i32
    %dma_start3A_32 = tpu.memref_slice %arg5[%dma_start3A_30, %dma_start3A_31] : memref<4x128xi32, #tpu.memory_space<vmem>> -> memref<1x128xi32, #tpu.memory_space<vmem>>
    %dma_start3A_33 = tpu.memref_squeeze %dma_start3A_32 : memref<1x128xi32, #tpu.memory_space<vmem>> -> memref<128xi32, #tpu.memory_space<vmem>>
    %dma_start3A_34 = tpu.memref_slice %arg2[%add3A_29] : memref<16384xi32, #tpu.memory_space<hbm>> -> memref<128xi32, #tpu.memory_space<hbm>>
    %dma_start3A_35 = arith.constant 0 : i32
    %dma_start3A_36 = tpu.memref_slice %arg5[%dma_start3A_30, %dma_start3A_35] : memref<4x128xi32, #tpu.memory_space<vmem>> -> memref<1x128xi32, #tpu.memory_space<vmem>>
    %dma_start3A_37 = tpu.memref_squeeze %dma_start3A_36 : memref<1x128xi32, #tpu.memory_space<vmem>> -> memref<128xi32, #tpu.memory_space<vmem>>
    %dma_start3A_38 = tpu.memref_slice %arg2[%add3A_29] : memref<16384xi32, #tpu.memory_space<hbm>> -> memref<128xi32, #tpu.memory_space<hbm>>
    tpu.enqueue_dma source(%dma_start3A_38 : memref<128xi32, #tpu.memory_space<hbm>>) target(%dma_start3A_37 : memref<128xi32, #tpu.memory_space<vmem>>) target_semaphore(%arg9 : memref<!tpu.dma_semaphore, #tpu.memory_space<semaphore_mem>>)
    %mul3A_39 = arith.constant 512 : i32
    %mul3A_40 = arith.muli %add3A, %mul3A_39 : i32
    %add3A_41 = arith.constant 384 : i32
    %add3A_42 = arith.addi %mul3A_40, %add3A_41 : i32
    %dma_start3A_43 = arith.constant 3 : i32
    %dma_start3A_44 = arith.constant 0 : i32
    %dma_start3A_45 = tpu.memref_slice %arg5[%dma_start3A_43, %dma_start3A_44] : memref<4x128xi32, #tpu.memory_space<vmem>> -> memref<1x128xi32, #tpu.memory_space<vmem>>
    %dma_start3A_46 = tpu.memref_squeeze %dma_start3A_45 : memref<1x128xi32, #tpu.memory_space<vmem>> -> memref<128xi32, #tpu.memory_space<vmem>>
    %dma_start3A_47 = tpu.memref_slice %arg2[%add3A_42] : memref<16384xi32, #tpu.memory_space<hbm>> -> memref<128xi32, #tpu.memory_space<hbm>>
    %dma_start3A_48 = arith.constant 0 : i32
    %dma_start3A_49 = tpu.memref_slice %arg5[%dma_start3A_43, %dma_start3A_48] : memref<4x128xi32, #tpu.memory_space<vmem>> -> memref<1x128xi32, #tpu.memory_space<vmem>>
    %dma_start3A_50 = tpu.memref_squeeze %dma_start3A_49 : memref<1x128xi32, #tpu.memory_space<vmem>> -> memref<128xi32, #tpu.memory_space<vmem>>
    %dma_start3A_51 = tpu.memref_slice %arg2[%add3A_42] : memref<16384xi32, #tpu.memory_space<hbm>> -> memref<128xi32, #tpu.memory_space<hbm>>
    tpu.enqueue_dma source(%dma_start3A_51 : memref<128xi32, #tpu.memory_space<hbm>>) target(%dma_start3A_50 : memref<128xi32, #tpu.memory_space<vmem>>) target_semaphore(%arg9 : memref<!tpu.dma_semaphore, #tpu.memory_space<semaphore_mem>>)
    %broadcast_in_dim3A = arith.constant 0.000000e+00 : f32
    %broadcast_in_dim3A_52 = vector.broadcast %broadcast_in_dim3A : f32 to vector<16xf32>
    %scan3A = arith.constant 0 : i32
    %scan3A_53 = arith.constant 0 : i32
    %scan3A_54 = arith.constant 49 : i32
    %scan3A_55 = arith.addi %scan3A_53, %scan3A_54 : i32
    %scan3A_56 = arith.constant 1 : i32
    %scan3A_57 = scf.for %scan3A_162 = %scan3A_53 to %scan3A_55 step %scan3A_56 iter_args(%scan3A_163 = %scan3A) -> (i32)  : i32 {
      %mul3A_164 = arith.constant 128 : i32
      %mul3A_165 = arith.muli %scan3A_162, %mul3A_164 : i32
      %add3A_166 = arith.constant 0 : i32
      %add3A_167 = arith.addi %mul3A_165, %add3A_166 : i32
      %swap3A_168 = arith.index_cast %add3A_167 : i32 to index
      %swap3A_169 = tpu.vector_load %arg6[%swap3A_168] {strides = array<i32>} : memref<6272xf32, #tpu.memory_space<vmem>>, vector<16xf32>,
      %swap3A_170 = vector.shape_cast %swap3A_169 : vector<16xf32> to vector<16xf32>
      %swap3A_171 = vector.shape_cast %broadcast_in_dim3A_52 : vector<16xf32> to vector<16xf32>
      tpu.vector_store %arg6[%swap3A_168], %swap3A_171 {strides = array<i32>} : memref<6272xf32, #tpu.memory_space<vmem>>, vector<16xf32>,
      %mul3A_172 = arith.constant 128 : i32
      %mul3A_173 = arith.muli %scan3A_162, %mul3A_172 : i32
      %add3A_174 = arith.constant 16 : i32
      %add3A_175 = arith.addi %mul3A_173, %add3A_174 : i32
      %swap3A_176 = arith.index_cast %add3A_175 : i32 to index
      %swap3A_177 = tpu.vector_load %arg6[%swap3A_176] {strides = array<i32>} : memref<6272xf32, #tpu.memory_space<vmem>>, vector<16xf32>,
      %swap3A_178 = vector.shape_cast %swap3A_177 : vector<16xf32> to vector<16xf32>
      %swap3A_179 = vector.shape_cast %broadcast_in_dim3A_52 : vector<16xf32> to vector<16xf32>
      tpu.vector_store %arg6[%swap3A_176], %swap3A_179 {strides = array<i32>} : memref<6272xf32, #tpu.memory_space<vmem>>, vector<16xf32>,
      %mul3A_180 = arith.constant 128 : i32
      %mul3A_181 = arith.muli %scan3A_162, %mul3A_180 : i32
      %add3A_182 = arith.constant 32 : i32
      %add3A_183 = arith.addi %mul3A_181, %add3A_182 : i32
      %swap3A_184 = arith.index_cast %add3A_183 : i32 to index
      %swap3A_185 = tpu.vector_load %arg6[%swap3A_184] {strides = array<i32>} : memref<6272xf32, #tpu.memory_space<vmem>>, vector<16xf32>,
      %swap3A_186 = vector.shape_cast %swap3A_185 : vector<16xf32> to vector<16xf32>
      %swap3A_187 = vector.shape_cast %broadcast_in_dim3A_52 : vector<16xf32> to vector<16xf32>
      tpu.vector_store %arg6[%swap3A_184], %swap3A_187 {strides = array<i32>} : memref<6272xf32, #tpu.memory_space<vmem>>, vector<16xf32>,
      %mul3A_188 = arith.constant 128 : i32
      %mul3A_189 = arith.muli %scan3A_162, %mul3A_188 : i32
      %add3A_190 = arith.constant 48 : i32
      %add3A_191 = arith.addi %mul3A_189, %add3A_190 : i32
      %swap3A_192 = arith.index_cast %add3A_191 : i32 to index
      %swap3A_193 = tpu.vector_load %arg6[%swap3A_192] {strides = array<i32>} : memref<6272xf32, #tpu.memory_space<vmem>>, vector<16xf32>,
      %swap3A_194 = vector.shape_cast %swap3A_193 : vector<16xf32> to vector<16xf32>
      %swap3A_195 = vector.shape_cast %broadcast_in_dim3A_52 : vector<16xf32> to vector<16xf32>
      tpu.vector_store %arg6[%swap3A_192], %swap3A_195 {strides = array<i32>} : memref<6272xf32, #tpu.memory_space<vmem>>, vector<16xf32>,
      %mul3A_196 = arith.constant 128 : i32
      %mul3A_197 = arith.muli %scan3A_162, %mul3A_196 : i32
      %add3A_198 = arith.constant 64 : i32
      %add3A_199 = arith.addi %mul3A_197, %add3A_198 : i32
      %swap3A_200 = arith.index_cast %add3A_199 : i32 to index
      %swap3A_201 = tpu.vector_load %arg6[%swap3A_200] {strides = array<i32>} : memref<6272xf32, #tpu.memory_space<vmem>>, vector<16xf32>,
      %swap3A_202 = vector.shape_cast %swap3A_201 : vector<16xf32> to vector<16xf32>
      %swap3A_203 = vector.shape_cast %broadcast_in_dim3A_52 : vector<16xf32> to vector<16xf32>
      tpu.vector_store %arg6[%swap3A_200], %swap3A_203 {strides = array<i32>} : memref<6272xf32, #tpu.memory_space<vmem>>, vector<16xf32>,
      %mul3A_204 = arith.constant 128 : i32
      %mul3A_205 = arith.muli %scan3A_162, %mul3A_204 : i32
      %add3A_206 = arith.constant 80 : i32
      %add3A_207 = arith.addi %mul3A_205, %add3A_206 : i32
      %swap3A_208 = arith.index_cast %add3A_207 : i32 to index
      %swap3A_209 = tpu.vector_load %arg6[%swap3A_208] {strides = array<i32>} : memref<6272xf32, #tpu.memory_space<vmem>>, vector<16xf32>,
      %swap3A_210 = vector.shape_cast %swap3A_209 : vector<16xf32> to vector<16xf32>
      %swap3A_211 = vector.shape_cast %broadcast_in_dim3A_52 : vector<16xf32> to vector<16xf32>
      tpu.vector_store %arg6[%swap3A_208], %swap3A_211 {strides = array<i32>} : memref<6272xf32, #tpu.memory_space<vmem>>, vector<16xf32>,
      %mul3A_212 = arith.constant 128 : i32
      %mul3A_213 = arith.muli %scan3A_162, %mul3A_212 : i32
      %add3A_214 = arith.constant 96 : i32
      %add3A_215 = arith.addi %mul3A_213, %add3A_214 : i32
      %swap3A_216 = arith.index_cast %add3A_215 : i32 to index
      %swap3A_217 = tpu.vector_load %arg6[%swap3A_216] {strides = array<i32>} : memref<6272xf32, #tpu.memory_space<vmem>>, vector<16xf32>,
      %swap3A_218 = vector.shape_cast %swap3A_217 : vector<16xf32> to vector<16xf32>
      %swap3A_219 = vector.shape_cast %broadcast_in_dim3A_52 : vector<16xf32> to vector<16xf32>
      tpu.vector_store %arg6[%swap3A_216], %swap3A_219 {strides = array<i32>} : memref<6272xf32, #tpu.memory_space<vmem>>, vector<16xf32>,
      %mul3A_220 = arith.constant 128 : i32
      %mul3A_221 = arith.muli %scan3A_162, %mul3A_220 : i32
      %add3A_222 = arith.constant 112 : i32
      %add3A_223 = arith.addi %mul3A_221, %add3A_222 : i32
      %swap3A_224 = arith.index_cast %add3A_223 : i32 to index
      %swap3A_225 = tpu.vector_load %arg6[%swap3A_224] {strides = array<i32>} : memref<6272xf32, #tpu.memory_space<vmem>>, vector<16xf32>,
      %swap3A_226 = vector.shape_cast %swap3A_225 : vector<16xf32> to vector<16xf32>
      %swap3A_227 = vector.shape_cast %broadcast_in_dim3A_52 : vector<16xf32> to vector<16xf32>
      tpu.vector_store %arg6[%swap3A_224], %swap3A_227 {strides = array<i32>} : memref<6272xf32, #tpu.memory_space<vmem>>, vector<16xf32>,
      %scan3A_228 = arith.constant 0 : i32
      scf.yield %scan3A_228 : i32
    }
    %scan3A_58 = arith.constant 49 : i32
    %add3A_59 = arith.constant 1.000000e+00 : f32
    %add3A_60 = vector.broadcast %add3A_59 : f32 to vector<16xf32>
    %add3A_61 = arith.addf %broadcast_in_dim3A_52, %add3A_60 : vector<16xf32>
    %swap3A = arith.constant 0 : index
    %swap3A_62 = tpu.vector_load %arg7[%swap3A] {strides = array<i32>} : memref<128xf32, #tpu.memory_space<vmem>>, vector<16xf32>,
    %swap3A_63 = vector.shape_cast %swap3A_62 : vector<16xf32> to vector<16xf32>
    %swap3A_64 = vector.shape_cast %add3A_61 : vector<16xf32> to vector<16xf32>
    tpu.vector_store %arg7[%swap3A], %swap3A_64 {strides = array<i32>} : memref<128xf32, #tpu.memory_space<vmem>>, vector<16xf32>,
    %add3A_65 = arith.constant 1.000000e+00 : f32
    %add3A_66 = vector.broadcast %add3A_65 : f32 to vector<16xf32>
    %add3A_67 = arith.addf %broadcast_in_dim3A_52, %add3A_66 : vector<16xf32>
    %swap3A_68 = arith.constant 16 : index
    %swap3A_69 = tpu.vector_load %arg7[%swap3A_68] {strides = array<i32>} : memref<128xf32, #tpu.memory_space<vmem>>, vector<16xf32>,
    %swap3A_70 = vector.shape_cast %swap3A_69 : vector<16xf32> to vector<16xf32>
    %swap3A_71 = vector.shape_cast %add3A_67 : vector<16xf32> to vector<16xf32>
    tpu.vector_store %arg7[%swap3A_68], %swap3A_71 {strides = array<i32>} : memref<128xf32, #tpu.memory_space<vmem>>, vector<16xf32>,
    %add3A_72 = arith.constant 1.000000e+00 : f32
    %add3A_73 = vector.broadcast %add3A_72 : f32 to vector<16xf32>
    %add3A_74 = arith.addf %broadcast_in_dim3A_52, %add3A_73 : vector<16xf32>
    %swap3A_75 = arith.constant 32 : index
    %swap3A_76 = tpu.vector_load %arg7[%swap3A_75] {strides = array<i32>} : memref<128xf32, #tpu.memory_space<vmem>>, vector<16xf32>,
    %swap3A_77 = vector.shape_cast %swap3A_76 : vector<16xf32> to vector<16xf32>
    %swap3A_78 = vector.shape_cast %add3A_74 : vector<16xf32> to vector<16xf32>
    tpu.vector_store %arg7[%swap3A_75], %swap3A_78 {strides = array<i32>} : memref<128xf32, #tpu.memory_space<vmem>>, vector<16xf32>,
    %add3A_79 = arith.constant 1.000000e+00 : f32
    %add3A_80 = vector.broadcast %add3A_79 : f32 to vector<16xf32>
    %add3A_81 = arith.addf %broadcast_in_dim3A_52, %add3A_80 : vector<16xf32>
    %swap3A_82 = arith.constant 48 : index
    %swap3A_83 = tpu.vector_load %arg7[%swap3A_82] {strides = array<i32>} : memref<128xf32, #tpu.memory_space<vmem>>, vector<16xf32>,
    %swap3A_84 = vector.shape_cast %swap3A_83 : vector<16xf32> to vector<16xf32>
    %swap3A_85 = vector.shape_cast %add3A_81 : vector<16xf32> to vector<16xf32>
    tpu.vector_store %arg7[%swap3A_82], %swap3A_85 {strides = array<i32>} : memref<128xf32, #tpu.memory_space<vmem>>, vector<16xf32>,
    %add3A_86 = arith.constant 1.000000e+00 : f32
    %add3A_87 = vector.broadcast %add3A_86 : f32 to vector<16xf32>
    %add3A_88 = arith.addf %broadcast_in_dim3A_52, %add3A_87 : vector<16xf32>
    %swap3A_89 = arith.constant 64 : index
    %swap3A_90 = tpu.vector_load %arg7[%swap3A_89] {strides = array<i32>} : memref<128xf32, #tpu.memory_space<vmem>>, vector<16xf32>,
    %swap3A_91 = vector.shape_cast %swap3A_90 : vector<16xf32> to vector<16xf32>
    %swap3A_92 = vector.shape_cast %add3A_88 : vector<16xf32> to vector<16xf32>
    tpu.vector_store %arg7[%swap3A_89], %swap3A_92 {strides = array<i32>} : memref<128xf32, #tpu.memory_space<vmem>>, vector<16xf32>,
    %add3A_93 = arith.constant 1.000000e+00 : f32
    %add3A_94 = vector.broadcast %add3A_93 : f32 to vector<16xf32>
    %add3A_95 = arith.addf %broadcast_in_dim3A_52, %add3A_94 : vector<16xf32>
    %swap3A_96 = arith.constant 80 : index
    %swap3A_97 = tpu.vector_load %arg7[%swap3A_96] {strides = array<i32>} : memref<128xf32, #tpu.memory_space<vmem>>, vector<16xf32>,
    %swap3A_98 = vector.shape_cast %swap3A_97 : vector<16xf32> to vector<16xf32>
    %swap3A_99 = vector.shape_cast %add3A_95 : vector<16xf32> to vector<16xf32>
    tpu.vector_store %arg7[%swap3A_96], %swap3A_99 {strides = array<i32>} : memref<128xf32, #tpu.memory_space<vmem>>, vector<16xf32>,
    %add3A_100 = arith.constant 1.000000e+00 : f32
    %add3A_101 = vector.broadcast %add3A_100 : f32 to vector<16xf32>
    %add3A_102 = arith.addf %broadcast_in_dim3A_52, %add3A_101 : vector<16xf32>
    %swap3A_103 = arith.constant 96 : index
    %swap3A_104 = tpu.vector_load %arg7[%swap3A_103] {strides = array<i32>} : memref<128xf32, #tpu.memory_space<vmem>>, vector<16xf32>,
    %swap3A_105 = vector.shape_cast %swap3A_104 : vector<16xf32> to vector<16xf32>
    %swap3A_106 = vector.shape_cast %add3A_102 : vector<16xf32> to vector<16xf32>
    tpu.vector_store %arg7[%swap3A_103], %swap3A_106 {strides = array<i32>} : memref<128xf32, #tpu.memory_space<vmem>>, vector<16xf32>,
    %add3A_107 = arith.constant 1.000000e+00 : f32
    %add3A_108 = vector.broadcast %add3A_107 : f32 to vector<16xf32>
    %add3A_109 = arith.addf %broadcast_in_dim3A_52, %add3A_108 : vector<16xf32>
    %swap3A_110 = arith.constant 112 : index
    %swap3A_111 = tpu.vector_load %arg7[%swap3A_110] {strides = array<i32>} : memref<128xf32, #tpu.memory_space<vmem>>, vector<16xf32>,
    %swap3A_112 = vector.shape_cast %swap3A_111 : vector<16xf32> to vector<16xf32>
    %swap3A_113 = vector.shape_cast %add3A_109 : vector<16xf32> to vector<16xf32>
    tpu.vector_store %arg7[%swap3A_110], %swap3A_113 {strides = array<i32>} : memref<128xf32, #tpu.memory_space<vmem>>, vector<16xf32>,
    %mul3A_114 = arith.constant 6272 : i32
    %mul3A_115 = arith.muli %arg1, %mul3A_114 : i32
    "tpu.region"() ({
      %run_scoped3A_162 = tpu.sem_alloc : memref<!tpu.dma_semaphore, #tpu.memory_space<semaphore_mem>>
      %dma_start3A_163 = tpu.memref_slice %arg8[%mul3A_115] : memref<100352xf32, #tpu.memory_space<vmem_shared>> -> memref<6272xf32, #tpu.memory_space<vmem_shared>>
      %dma_start3A_164 = tpu.memref_slice %arg8[%mul3A_115] : memref<100352xf32, #tpu.memory_space<vmem_shared>> -> memref<6272xf32, #tpu.memory_space<vmem_shared>>
      tpu.enqueue_dma source(%arg6 : memref<6272xf32, #tpu.memory_space<vmem>>) target(%dma_start3A_164 : memref<6272xf32, #tpu.memory_space<vmem_shared>>) target_semaphore(%run_scoped3A_162 : memref<!tpu.dma_semaphore, #tpu.memory_space<semaphore_mem>>)
      %dma_wait3A_165 = tpu.memref_slice %arg8[%mul3A_115] : memref<100352xf32, #tpu.memory_space<vmem_shared>> -> memref<6272xf32, #tpu.memory_space<vmem_shared>>
      %dma_wait3A_166 = tpu.memref_slice %arg8[%mul3A_115] : memref<100352xf32, #tpu.memory_space<vmem_shared>> -> memref<6272xf32, #tpu.memory_space<vmem_shared>>
      tpu.wait_dma2 semaphore(%run_scoped3A_162 : memref<!tpu.dma_semaphore, #tpu.memory_space<semaphore_mem>>) src(%arg6 : memref<6272xf32, #tpu.memory_space<vmem>>) dst(%dma_wait3A_166 : memref<6272xf32, #tpu.memory_space<vmem_shared>>)
      tpu.yield
    }) : () -> ()
    %dma_wait3A = arith.constant 0 : i32
    %dma_wait3A_116 = arith.constant 0 : i32
    %dma_wait3A_117 = tpu.memref_slice %arg5[%dma_wait3A, %dma_wait3A_116] : memref<4x128xi32, #tpu.memory_space<vmem>> -> memref<1x128xi32, #tpu.memory_space<vmem>>
    %dma_wait3A_118 = tpu.memref_squeeze %dma_wait3A_117 : memref<1x128xi32, #tpu.memory_space<vmem>> -> memref<128xi32, #tpu.memory_space<vmem>>
    %dma_wait3A_119 = tpu.memref_slice %arg2[%add3A_4] : memref<16384xi32, #tpu.memory_space<hbm>> -> memref<128xi32, #tpu.memory_space<hbm>>
    %dma_wait3A_120 = arith.constant 0 : i32
    %dma_wait3A_121 = tpu.memref_slice %arg5[%dma_wait3A, %dma_wait3A_120] : memref<4x128xi32, #tpu.memory_space<vmem>> -> memref<1x128xi32, #tpu.memory_space<vmem>>
    %dma_wait3A_122 = tpu.memref_squeeze %dma_wait3A_121 : memref<1x128xi32, #tpu.memory_space<vmem>> -> memref<128xi32, #tpu.memory_space<vmem>>
    %dma_wait3A_123 = tpu.memref_slice %arg2[%add3A_4] : memref<16384xi32, #tpu.memory_space<hbm>> -> memref<128xi32, #tpu.memory_space<hbm>>
    tpu.wait_dma2 semaphore(%arg9 : memref<!tpu.dma_semaphore, #tpu.memory_space<semaphore_mem>>) src(%dma_wait3A_123 : memref<128xi32, #tpu.memory_space<hbm>>) dst(%dma_wait3A_122 : memref<128xi32, #tpu.memory_space<vmem>>)
    %dma_wait3A_124 = arith.constant 1 : i32
    %dma_wait3A_125 = arith.constant 0 : i32
    %dma_wait3A_126 = tpu.memref_slice %arg5[%dma_wait3A_124, %dma_wait3A_125] : memref<4x128xi32, #tpu.memory_space<vmem>> -> memref<1x128xi32, #tpu.memory_space<vmem>>
    %dma_wait3A_127 = tpu.memref_squeeze %dma_wait3A_126 : memref<1x128xi32, #tpu.memory_space<vmem>> -> memref<128xi32, #tpu.memory_space<vmem>>
    %dma_wait3A_128 = tpu.memref_slice %arg2[%add3A_16] : memref<16384xi32, #tpu.memory_space<hbm>> -> memref<128xi32, #tpu.memory_space<hbm>>
    %dma_wait3A_129 = arith.constant 0 : i32
    %dma_wait3A_130 = tpu.memref_slice %arg5[%dma_wait3A_124, %dma_wait3A_129] : memref<4x128xi32, #tpu.memory_space<vmem>> -> memref<1x128xi32, #tpu.memory_space<vmem>>
    %dma_wait3A_131 = tpu.memref_squeeze %dma_wait3A_130 : memref<1x128xi32, #tpu.memory_space<vmem>> -> memref<128xi32, #tpu.memory_space<vmem>>
    %dma_wait3A_132 = tpu.memref_slice %arg2[%add3A_16] : memref<16384xi32, #tpu.memory_space<hbm>> -> memref<128xi32, #tpu.memory_space<hbm>>
    tpu.wait_dma2 semaphore(%arg9 : memref<!tpu.dma_semaphore, #tpu.memory_space<semaphore_mem>>) src(%dma_wait3A_132 : memref<128xi32, #tpu.memory_space<hbm>>) dst(%dma_wait3A_131 : memref<128xi32, #tpu.memory_space<vmem>>)
    %dma_wait3A_133 = arith.constant 2 : i32
    %dma_wait3A_134 = arith.constant 0 : i32
    %dma_wait3A_135 = tpu.memref_slice %arg5[%dma_wait3A_133, %dma_wait3A_134] : memref<4x128xi32, #tpu.memory_space<vmem>> -> memref<1x128xi32, #tpu.memory_space<vmem>>
    %dma_wait3A_136 = tpu.memref_squeeze %dma_wait3A_135 : memref<1x128xi32, #tpu.memory_space<vmem>> -> memref<128xi32, #tpu.memory_space<vmem>>
    %dma_wait3A_137 = tpu.memref_slice %arg2[%add3A_29] : memref<16384xi32, #tpu.memory_space<hbm>> -> memref<128xi32, #tpu.memory_space<hbm>>
    %dma_wait3A_138 = arith.constant 0 : i32
    %dma_wait3A_139 = tpu.memref_slice %arg5[%dma_wait3A_133, %dma_wait3A_138] : memref<4x128xi32, #tpu.memory_space<vmem>> -> memref<1x128xi32, #tpu.memory_space<vmem>>
    %dma_wait3A_140 = tpu.memref_squeeze %dma_wait3A_139 : memref<1x128xi32, #tpu.memory_space<vmem>> -> memref<128xi32, #tpu.memory_space<vmem>>
    %dma_wait3A_141 = tpu.memref_slice %arg2[%add3A_29] : memref<16384xi32, #tpu.memory_space<hbm>> -> memref<128xi32, #tpu.memory_space<hbm>>
    tpu.wait_dma2 semaphore(%arg9 : memref<!tpu.dma_semaphore, #tpu.memory_space<semaphore_mem>>) src(%dma_wait3A_141 : memref<128xi32, #tpu.memory_space<hbm>>) dst(%dma_wait3A_140 : memref<128xi32, #tpu.memory_space<vmem>>)
    %dma_wait3A_142 = arith.constant 3 : i32
    %dma_wait3A_143 = arith.constant 0 : i32
    %dma_wait3A_144 = tpu.memref_slice %arg5[%dma_wait3A_142, %dma_wait3A_143] : memref<4x128xi32, #tpu.memory_space<vmem>> -> memref<1x128xi32, #tpu.memory_space<vmem>>
    %dma_wait3A_145 = tpu.memref_squeeze %dma_wait3A_144 : memref<1x128xi32, #tpu.memory_space<vmem>> -> memref<128xi32, #tpu.memory_space<vmem>>
    %dma_wait3A_146 = tpu.memref_slice %arg2[%add3A_42] : memref<16384xi32, #tpu.memory_space<hbm>> -> memref<128xi32, #tpu.memory_space<hbm>>
    %dma_wait3A_147 = arith.constant 0 : i32
    %dma_wait3A_148 = tpu.memref_slice %arg5[%dma_wait3A_142, %dma_wait3A_147] : memref<4x128xi32, #tpu.memory_space<vmem>> -> memref<1x128xi32, #tpu.memory_space<vmem>>
    %dma_wait3A_149 = tpu.memref_squeeze %dma_wait3A_148 : memref<1x128xi32, #tpu.memory_space<vmem>> -> memref<128xi32, #tpu.memory_space<vmem>>
    %dma_wait3A_150 = tpu.memref_slice %arg2[%add3A_42] : memref<16384xi32, #tpu.memory_space<hbm>> -> memref<128xi32, #tpu.memory_space<hbm>>
    tpu.wait_dma2 semaphore(%arg9 : memref<!tpu.dma_semaphore, #tpu.memory_space<semaphore_mem>>) src(%dma_wait3A_150 : memref<128xi32, #tpu.memory_space<hbm>>) dst(%dma_wait3A_149 : memref<128xi32, #tpu.memory_space<vmem>>)
    %barrier3A = arith.constant 0 : index
    tpu.barrier barrier_id(%barrier3A)
    %run_scoped3A = arith.constant 0 : i32
    "tpu.region"() ({
      %run_scoped3A_162 = tpu.sem_alloc : memref<!tpu.dma_semaphore, #tpu.memory_space<semaphore_mem>>
      %dma_start3A_163 = arith.constant 0 : i32
      %dma_start3A_164 = tpu.memref_slice %arg5[%run_scoped3A, %dma_start3A_163] : memref<4x128xi32, #tpu.memory_space<vmem>> -> memref<1x128xi32, #tpu.memory_space<vmem>>
      %dma_start3A_165 = tpu.memref_squeeze %dma_start3A_164 : memref<1x128xi32, #tpu.memory_space<vmem>> -> memref<128xi32, #tpu.memory_space<vmem>>
      %dma_start3A_166 = arith.constant 0 : i32
      %dma_start3A_167 = tpu.memref_slice %arg8[%dma_start3A_166] : memref<100352xf32, #tpu.memory_space<vmem_shared>> -> memref<100352xf32, #tpu.memory_space<vmem_shared>>
      tpu.enqueue_indirect_dma source(%arg7 : memref<128xf32, #tpu.memory_space<vmem>>) target(%dma_start3A_167 : memref<100352xf32, #tpu.memory_space<vmem_shared>>) offsets(%dma_start3A_165 : memref<128xi32, #tpu.memory_space<vmem>>) semaphore(%run_scoped3A_162 : memref<!tpu.dma_semaphore, #tpu.memory_space<semaphore_mem>>) {add = true}
      %dma_wait3A_168 = arith.constant 0 : i32
      %dma_wait3A_169 = tpu.memref_slice %arg5[%run_scoped3A, %dma_wait3A_168] : memref<4x128xi32, #tpu.memory_space<vmem>> -> memref<1x128xi32, #tpu.memory_space<vmem>>
      %dma_wait3A_170 = tpu.memref_squeeze %dma_wait3A_169 : memref<1x128xi32, #tpu.memory_space<vmem>> -> memref<128xi32, #tpu.memory_space<vmem>>
      %dma_wait3A_171 = arith.constant 0 : i32
      %dma_wait3A_172 = tpu.memref_slice %arg8[%dma_wait3A_171] : memref<100352xf32, #tpu.memory_space<vmem_shared>> -> memref<100352xf32, #tpu.memory_space<vmem_shared>>
      tpu.wait_indirect_dma semaphore(%run_scoped3A_162 : memref<!tpu.dma_semaphore, #tpu.memory_space<semaphore_mem>>) src(%arg7 : memref<128xf32, #tpu.memory_space<vmem>>) dst(%dma_wait3A_172 : memref<100352xf32, #tpu.memory_space<vmem_shared>>)
      tpu.yield
    }) : () -> ()
    %run_scoped3A_151 = arith.constant 1 : i32
    "tpu.region"() ({
      %run_scoped3A_162 = tpu.sem_alloc : memref<!tpu.dma_semaphore, #tpu.memory_space<semaphore_mem>>
      %dma_start3A_163 = arith.constant 0 : i32
      %dma_start3A_164 = tpu.memref_slice %arg5[%run_scoped3A_151, %dma_start3A_163] : memref<4x128xi32, #tpu.memory_space<vmem>> -> memref<1x128xi32, #tpu.memory_space<vmem>>
      %dma_start3A_165 = tpu.memref_squeeze %dma_start3A_164 : memref<1x128xi32, #tpu.memory_space<vmem>> -> memref<128xi32, #tpu.memory_space<vmem>>
      %dma_start3A_166 = arith.constant 0 : i32
      %dma_start3A_167 = tpu.memref_slice %arg8[%dma_start3A_166] : memref<100352xf32, #tpu.memory_space<vmem_shared>> -> memref<100352xf32, #tpu.memory_space<vmem_shared>>
      tpu.enqueue_indirect_dma source(%arg7 : memref<128xf32, #tpu.memory_space<vmem>>) target(%dma_start3A_167 : memref<100352xf32, #tpu.memory_space<vmem_shared>>) offsets(%dma_start3A_165 : memref<128xi32, #tpu.memory_space<vmem>>) semaphore(%run_scoped3A_162 : memref<!tpu.dma_semaphore, #tpu.memory_space<semaphore_mem>>) {add = true}
      %dma_wait3A_168 = arith.constant 0 : i32
      %dma_wait3A_169 = tpu.memref_slice %arg5[%run_scoped3A_151, %dma_wait3A_168] : memref<4x128xi32, #tpu.memory_space<vmem>> -> memref<1x128xi32, #tpu.memory_space<vmem>>
      %dma_wait3A_170 = tpu.memref_squeeze %dma_wait3A_169 : memref<1x128xi32, #tpu.memory_space<vmem>> -> memref<128xi32, #tpu.memory_space<vmem>>
      %dma_wait3A_171 = arith.constant 0 : i32
      %dma_wait3A_172 = tpu.memref_slice %arg8[%dma_wait3A_171] : memref<100352xf32, #tpu.memory_space<vmem_shared>> -> memref<100352xf32, #tpu.memory_space<vmem_shared>>
      tpu.wait_indirect_dma semaphore(%run_scoped3A_162 : memref<!tpu.dma_semaphore, #tpu.memory_space<semaphore_mem>>) src(%arg7 : memref<128xf32, #tpu.memory_space<vmem>>) dst(%dma_wait3A_172 : memref<100352xf32, #tpu.memory_space<vmem_shared>>)
      tpu.yield
    }) : () -> ()
    %run_scoped3A_152 = arith.constant 2 : i32
    "tpu.region"() ({
      %run_scoped3A_162 = tpu.sem_alloc : memref<!tpu.dma_semaphore, #tpu.memory_space<semaphore_mem>>
      %dma_start3A_163 = arith.constant 0 : i32
      %dma_start3A_164 = tpu.memref_slice %arg5[%run_scoped3A_152, %dma_start3A_163] : memref<4x128xi32, #tpu.memory_space<vmem>> -> memref<1x128xi32, #tpu.memory_space<vmem>>
      %dma_start3A_165 = tpu.memref_squeeze %dma_start3A_164 : memref<1x128xi32, #tpu.memory_space<vmem>> -> memref<128xi32, #tpu.memory_space<vmem>>
      %dma_start3A_166 = arith.constant 0 : i32
      %dma_start3A_167 = tpu.memref_slice %arg8[%dma_start3A_166] : memref<100352xf32, #tpu.memory_space<vmem_shared>> -> memref<100352xf32, #tpu.memory_space<vmem_shared>>
      tpu.enqueue_indirect_dma source(%arg7 : memref<128xf32, #tpu.memory_space<vmem>>) target(%dma_start3A_167 : memref<100352xf32, #tpu.memory_space<vmem_shared>>) offsets(%dma_start3A_165 : memref<128xi32, #tpu.memory_space<vmem>>) semaphore(%run_scoped3A_162 : memref<!tpu.dma_semaphore, #tpu.memory_space<semaphore_mem>>) {add = true}
      %dma_wait3A_168 = arith.constant 0 : i32
      %dma_wait3A_169 = tpu.memref_slice %arg5[%run_scoped3A_152, %dma_wait3A_168] : memref<4x128xi32, #tpu.memory_space<vmem>> -> memref<1x128xi32, #tpu.memory_space<vmem>>
      %dma_wait3A_170 = tpu.memref_squeeze %dma_wait3A_169 : memref<1x128xi32, #tpu.memory_space<vmem>> -> memref<128xi32, #tpu.memory_space<vmem>>
      %dma_wait3A_171 = arith.constant 0 : i32
      %dma_wait3A_172 = tpu.memref_slice %arg8[%dma_wait3A_171] : memref<100352xf32, #tpu.memory_space<vmem_shared>> -> memref<100352xf32, #tpu.memory_space<vmem_shared>>
      tpu.wait_indirect_dma semaphore(%run_scoped3A_162 : memref<!tpu.dma_semaphore, #tpu.memory_space<semaphore_mem>>) src(%arg7 : memref<128xf32, #tpu.memory_space<vmem>>) dst(%dma_wait3A_172 : memref<100352xf32, #tpu.memory_space<vmem_shared>>)
      tpu.yield
    }) : () -> ()
    %run_scoped3A_153 = arith.constant 3 : i32
    "tpu.region"() ({
      %run_scoped3A_162 = tpu.sem_alloc : memref<!tpu.dma_semaphore, #tpu.memory_space<semaphore_mem>>
      %dma_start3A_163 = arith.constant 0 : i32
      %dma_start3A_164 = tpu.memref_slice %arg5[%run_scoped3A_153, %dma_start3A_163] : memref<4x128xi32, #tpu.memory_space<vmem>> -> memref<1x128xi32, #tpu.memory_space<vmem>>
      %dma_start3A_165 = tpu.memref_squeeze %dma_start3A_164 : memref<1x128xi32, #tpu.memory_space<vmem>> -> memref<128xi32, #tpu.memory_space<vmem>>
      %dma_start3A_166 = arith.constant 0 : i32
      %dma_start3A_167 = tpu.memref_slice %arg8[%dma_start3A_166] : memref<100352xf32, #tpu.memory_space<vmem_shared>> -> memref<100352xf32, #tpu.memory_space<vmem_shared>>
      tpu.enqueue_indirect_dma source(%arg7 : memref<128xf32, #tpu.memory_space<vmem>>) target(%dma_start3A_167 : memref<100352xf32, #tpu.memory_space<vmem_shared>>) offsets(%dma_start3A_165 : memref<128xi32, #tpu.memory_space<vmem>>) semaphore(%run_scoped3A_162 : memref<!tpu.dma_semaphore, #tpu.memory_space<semaphore_mem>>) {add = true}
      %dma_wait3A_168 = arith.constant 0 : i32
      %dma_wait3A_169 = tpu.memref_slice %arg5[%run_scoped3A_153, %dma_wait3A_168] : memref<4x128xi32, #tpu.memory_space<vmem>> -> memref<1x128xi32, #tpu.memory_space<vmem>>
      %dma_wait3A_170 = tpu.memref_squeeze %dma_wait3A_169 : memref<1x128xi32, #tpu.memory_space<vmem>> -> memref<128xi32, #tpu.memory_space<vmem>>
      %dma_wait3A_171 = arith.constant 0 : i32
      %dma_wait3A_172 = tpu.memref_slice %arg8[%dma_wait3A_171] : memref<100352xf32, #tpu.memory_space<vmem_shared>> -> memref<100352xf32, #tpu.memory_space<vmem_shared>>
      tpu.wait_indirect_dma semaphore(%run_scoped3A_162 : memref<!tpu.dma_semaphore, #tpu.memory_space<semaphore_mem>>) src(%arg7 : memref<128xf32, #tpu.memory_space<vmem>>) dst(%dma_wait3A_172 : memref<100352xf32, #tpu.memory_space<vmem_shared>>)
      tpu.yield
    }) : () -> ()
    %barrier3A_154 = arith.constant 0 : index
    tpu.barrier barrier_id(%barrier3A_154)
    %eq3A = arith.constant 0 : i32
    %eq3A_155 = arith.cmpi eq, %arg0, %eq3A : i32
    %convert_element_type3A = arith.extui %eq3A_155 : i1 to i32
    %cond3A = arith.constant 0 : i32
    %cond3A_156 = arith.cmpi ne, %convert_element_type3A, %cond3A : i32
    scf.if %cond3A_156 {
      %mul3A_162 = arith.constant 6272 : i32
      %mul3A_163 = arith.muli %arg1, %mul3A_162 : i32
      %mul3A_164 = arith.constant 6272 : i32
      %mul3A_165 = arith.muli %arg1, %mul3A_164 : i32
      "tpu.region"() ({
        %run_scoped3A_166 = tpu.sem_alloc : memref<!tpu.dma_semaphore, #tpu.memory_space<semaphore_mem>>
        %dma_start3A_167 = tpu.memref_slice %arg3[%mul3A_165] : memref<100352xf32, #tpu.memory_space<hbm>> -> memref<6272xf32, #tpu.memory_space<hbm>>
        %dma_start3A_168 = tpu.memref_slice %arg8[%mul3A_163] : memref<100352xf32, #tpu.memory_space<vmem_shared>> -> memref<6272xf32, #tpu.memory_space<vmem_shared>>
        tpu.enqueue_dma source(%dma_start3A_168 : memref<6272xf32, #tpu.memory_space<vmem_shared>>) target(%dma_start3A_167 : memref<6272xf32, #tpu.memory_space<hbm>>) target_semaphore(%run_scoped3A_166 : memref<!tpu.dma_semaphore, #tpu.memory_space<semaphore_mem>>)
        %dma_wait3A_169 = tpu.memref_slice %arg3[%mul3A_165] : memref<100352xf32, #tpu.memory_space<hbm>> -> memref<6272xf32, #tpu.memory_space<hbm>>
        %dma_wait3A_170 = tpu.memref_slice %arg8[%mul3A_163] : memref<100352xf32, #tpu.memory_space<vmem_shared>> -> memref<6272xf32, #tpu.memory_space<vmem_shared>>
        tpu.wait_dma2 semaphore(%run_scoped3A_166 : memref<!tpu.dma_semaphore, #tpu.memory_space<semaphore_mem>>) src(%dma_wait3A_170 : memref<6272xf32, #tpu.memory_space<vmem_shared>>) dst(%dma_wait3A_169 : memref<6272xf32, #tpu.memory_space<hbm>>)
        tpu.yield
      }) : () -> ()
    } else {
    }
    %eq3A_157 = arith.constant 1 : i32
    %eq3A_158 = arith.cmpi eq, %arg0, %eq3A_157 : i32
    %convert_element_type3A_159 = arith.extui %eq3A_158 : i1 to i32
    %cond3A_160 = arith.constant 0 : i32
    %cond3A_161 = arith.cmpi ne, %convert_element_type3A_159, %cond3A_160 : i32
    scf.if %cond3A_161 {
      %mul3A_162 = arith.constant 6272 : i32
      %mul3A_163 = arith.muli %arg1, %mul3A_162 : i32
      %mul3A_164 = arith.constant 6272 : i32
      %mul3A_165 = arith.muli %arg1, %mul3A_164 : i32
      "tpu.region"() ({
        %run_scoped3A_166 = tpu.sem_alloc : memref<!tpu.dma_semaphore, #tpu.memory_space<semaphore_mem>>
        %dma_start3A_167 = tpu.memref_slice %arg4[%mul3A_165] : memref<100352xf32, #tpu.memory_space<hbm>> -> memref<6272xf32, #tpu.memory_space<hbm>>
        %dma_start3A_168 = tpu.memref_slice %arg8[%mul3A_163] : memref<100352xf32, #tpu.memory_space<vmem_shared>> -> memref<6272xf32, #tpu.memory_space<vmem_shared>>
        tpu.enqueue_dma source(%dma_start3A_168 : memref<6272xf32, #tpu.memory_space<vmem_shared>>) target(%dma_start3A_167 : memref<6272xf32, #tpu.memory_space<hbm>>) target_semaphore(%run_scoped3A_166 : memref<!tpu.dma_semaphore, #tpu.memory_space<semaphore_mem>>)
        %dma_wait3A_169 = tpu.memref_slice %arg4[%mul3A_165] : memref<100352xf32, #tpu.memory_space<hbm>> -> memref<6272xf32, #tpu.memory_space<hbm>>
        %dma_wait3A_170 = tpu.memref_slice %arg8[%mul3A_163] : memref<100352xf32, #tpu.memory_space<vmem_shared>> -> memref<6272xf32, #tpu.memory_space<vmem_shared>>
        tpu.wait_dma2 semaphore(%run_scoped3A_166 : memref<!tpu.dma_semaphore, #tpu.memory_space<semaphore_mem>>) src(%dma_wait3A_170 : memref<6272xf32, #tpu.memory_space<vmem_shared>>) dst(%dma_wait3A_169 : memref<6272xf32, #tpu.memory_space<hbm>>)
        tpu.yield
      }) : () -> ()
    } else {
    }
    return
  }
}

module attributes {stable_mosaic.version = 14 : i64} {
  func.func @_tc_body(%arg0: i32, %arg1: i32, %arg2: memref<1x25088xf32, #tpu.memory_space<vmem>>, %arg3: memref<1x25088xf32, #tpu.memory_space<vmem>>, %arg4: memref<64x25088xf32, #tpu.memory_space<vmem>>, %arg5: memref<64x25088xf32, #tpu.memory_space<vmem>>, %arg6: memref<1x25088xf32, #tpu.memory_space<vmem>>, %arg7: memref<1x25088xf32, #tpu.memory_space<vmem>>, %arg8: memref<1x64xf32, #tpu.memory_space<vmem>>, %arg9: memref<1x25088xf32, #tpu.memory_space<vmem>>, %arg10: memref<1x25088xf32, #tpu.memory_space<vmem>>, %arg11: memref<4x1x25088xf32, #tpu.memory_space<vmem>>, %arg12: memref<2xf32, #tpu.memory_space<smem>>) attributes {dimension_semantics = [#tpu.dimension_semantics<arbitrary>, #tpu.dimension_semantics<arbitrary>], iteration_bounds = array<i64: 3, 4>, scalar_prefetch = 0 : i64, scratch_operands = 5 : i64, tpu.core_type = #tpu.core_type<tc>, window_params = [{transform_indices = @transform_0, window_bounds = array<i64: 1, 25088>}, {transform_indices = @transform_1, window_bounds = array<i64: 1, 25088>}, {transform_indices = @transform_2, window_bounds = array<i64: 64, 25088>}, {transform_indices = @transform_3, window_bounds = array<i64: 64, 25088>}, {transform_indices = @transform_4, window_bounds = array<i64: 1, 25088>}, {transform_indices = @transform_5, window_bounds = array<i64: 1, 25088>}]} {
    %iota3A = tpu.iota {dimensions = array<i32: 1>} : vector<1x25088xi32>
    %mul3A = arith.constant 25088 : i32
    %mul3A_0 = arith.muli %arg1, %mul3A : i32
    %sub3A = arith.constant 100000 : i32
    %sub3A_1 = arith.subi %sub3A, %mul3A_0 : i32
    %eq3A = arith.constant 0 : i32
    %eq3A_2 = arith.cmpi eq, %arg0, %eq3A : i32
    %eq3A_3 = arith.constant 0 : i32
    %eq3A_4 = arith.cmpi eq, %arg1, %eq3A_3 : i32
    %and3A = arith.andi %eq3A_2, %eq3A_4 : i1
    %convert_element_type3A = arith.extui %and3A : i1 to i32
    %cond3A = arith.constant 0 : i32
    %cond3A_5 = arith.cmpi ne, %convert_element_type3A, %cond3A : i32
    scf.if %cond3A_5 {
      %broadcast_in_dim3A = arith.constant 0.000000e+00 : f32
      %broadcast_in_dim3A_47 = vector.broadcast %broadcast_in_dim3A : f32 to vector<1x64xf32>
      %swap3A = arith.constant 0 : index
      %swap3A_48 = arith.constant 0 : index
      %swap3A_49 = vector.load %arg8[%swap3A, %swap3A_48] : memref<1x64xf32, #tpu.memory_space<vmem>>, vector<1x64xf32>
      tpu.vector_store %arg8[%swap3A, %swap3A_48], %broadcast_in_dim3A_47 {strides = array<i32>} : memref<1x64xf32, #tpu.memory_space<vmem>>, vector<1x64xf32>,
    } else {
    }
    %eq3A_6 = arith.constant 0 : i32
    %eq3A_7 = arith.cmpi eq, %arg0, %eq3A_6 : i32
    %lt3A = arith.constant 3 : i32
    %lt3A_8 = arith.cmpi slt, %arg1, %lt3A : i32
    %and3A_9 = arith.andi %eq3A_7, %lt3A_8 : i1
    %convert_element_type3A_10 = arith.extui %and3A_9 : i1 to i32
    %cond3A_11 = arith.constant 0 : i32
    %cond3A_12 = arith.cmpi ne, %convert_element_type3A_10, %cond3A_11 : i32
    scf.if %cond3A_12 {
      %get3A = arith.constant 0 : index
      %get3A_47 = arith.constant 0 : index
      %get3A_48 = vector.load %arg2[%get3A, %get3A_47] : memref<1x25088xf32, #tpu.memory_space<vmem>>, vector<1x25088xf32>
      %get3A_49 = arith.constant 0 : index
      %get3A_50 = arith.constant 0 : index
      %get3A_51 = vector.load %arg3[%get3A_49, %get3A_50] : memref<1x25088xf32, #tpu.memory_space<vmem>>, vector<1x25088xf32>
      %add3A = arith.addf %get3A_48, %get3A_51 : vector<1x25088xf32>
      %get3A_52 = arith.constant 0 : index
      %get3A_53 = arith.constant 0 : index
      %get3A_54 = vector.load %arg8[%get3A_52, %get3A_53] : memref<1x64xf32, #tpu.memory_space<vmem>>, vector<1x64xf32>
      %get3A_55 = arith.constant 0 : index
      %get3A_56 = arith.constant 0 : index
      %get3A_57 = vector.load %arg4[%get3A_55, %get3A_56] : memref<64x25088xf32, #tpu.memory_space<vmem>>, vector<64x25088xf32>
      %dot_general3A = arith.constant dense<0.000000e+00> : vector<1x64xf32>
      %dot_general3A_58 = tpu.matmul %add3A, %get3A_57, %dot_general3A {dimension_numbers = #tpu.dot_dimension_numbers<[1], [1], [0], [0], [0, 0, 1, 0], [], []>, transpose_lhs_hint = false} : vector<1x25088xf32>, vector<64x25088xf32>, vector<1x64xf32> -> vector<1x64xf32>
      %add3A_59 = arith.addf %get3A_54, %dot_general3A_58 : vector<1x64xf32>
      %swap3A = arith.constant 0 : index
      %swap3A_60 = arith.constant 0 : index
      %swap3A_61 = vector.load %arg8[%swap3A, %swap3A_60] : memref<1x64xf32, #tpu.memory_space<vmem>>, vector<1x64xf32>
      tpu.vector_store %arg8[%swap3A, %swap3A_60], %add3A_59 {strides = array<i32>} : memref<1x64xf32, #tpu.memory_space<vmem>>, vector<1x64xf32>,
    } else {
    }
    %eq3A_13 = arith.constant 0 : i32
    %eq3A_14 = arith.cmpi eq, %arg0, %eq3A_13 : i32
    %eq3A_15 = arith.constant 3 : i32
    %eq3A_16 = arith.cmpi eq, %arg1, %eq3A_15 : i32
    %and3A_17 = arith.andi %eq3A_14, %eq3A_16 : i1
    %convert_element_type3A_18 = arith.extui %and3A_17 : i1 to i32
    %cond3A_19 = arith.constant 0 : i32
    %cond3A_20 = arith.cmpi ne, %convert_element_type3A_18, %cond3A_19 : i32
    scf.if %cond3A_20 {
      %get3A = arith.constant 0 : index
      %get3A_47 = arith.constant 0 : index
      %get3A_48 = vector.load %arg2[%get3A, %get3A_47] : memref<1x25088xf32, #tpu.memory_space<vmem>>, vector<1x25088xf32>
      %get3A_49 = arith.constant 0 : index
      %get3A_50 = arith.constant 0 : index
      %get3A_51 = vector.load %arg3[%get3A_49, %get3A_50] : memref<1x25088xf32, #tpu.memory_space<vmem>>, vector<1x25088xf32>
      %add3A = arith.addf %get3A_48, %get3A_51 : vector<1x25088xf32>
      %lt3A_52 = vector.broadcast %sub3A_1 : i32 to vector<1x25088xi32>
      %lt3A_53 = arith.cmpi slt, %iota3A, %lt3A_52 : vector<1x25088xi32>
      %get3A_54 = arith.constant 0 : index
      %get3A_55 = arith.constant 0 : index
      %get3A_56 = vector.load %arg4[%get3A_54, %get3A_55] : memref<64x25088xf32, #tpu.memory_space<vmem>>, vector<64x25088xf32>
      %jit3A = arith.constant 0.000000e+00 : f32
      %broadcast_in_dim3A = vector.shape_cast %lt3A_53 : vector<1x25088xi1> to vector<1x25088xi1>
      %broadcast_in_dim3A_57 = vector.broadcast %broadcast_in_dim3A : vector<1x25088xi1> to vector<64x25088xi1>
      %broadcast_in_dim3A_58 = vector.broadcast %jit3A : f32 to vector<64x25088xf32>
      %select_n3A = arith.select %broadcast_in_dim3A_57, %get3A_56, %broadcast_in_dim3A_58 : vector<64x25088xi1>, vector<64x25088xf32>
      %get3A_59 = arith.constant 0 : index
      %get3A_60 = arith.constant 0 : index
      %get3A_61 = vector.load %arg8[%get3A_59, %get3A_60] : memref<1x64xf32, #tpu.memory_space<vmem>>, vector<1x64xf32>
      %dot_general3A = arith.constant dense<0.000000e+00> : vector<1x64xf32>
      %dot_general3A_62 = tpu.matmul %add3A, %select_n3A, %dot_general3A {dimension_numbers = #tpu.dot_dimension_numbers<[1], [1], [0], [0], [0, 0, 1, 0], [], []>, transpose_lhs_hint = false} : vector<1x25088xf32>, vector<64x25088xf32>, vector<1x64xf32> -> vector<1x64xf32>
      %add3A_63 = arith.addf %get3A_61, %dot_general3A_62 : vector<1x64xf32>
      %swap3A = arith.constant 0 : index
      %swap3A_64 = arith.constant 0 : index
      %swap3A_65 = vector.load %arg8[%swap3A, %swap3A_64] : memref<1x64xf32, #tpu.memory_space<vmem>>, vector<1x64xf32>
      tpu.vector_store %arg8[%swap3A, %swap3A_64], %add3A_63 {strides = array<i32>} : memref<1x64xf32, #tpu.memory_space<vmem>>, vector<1x64xf32>,
    } else {
    }
    %eq3A_21 = arith.constant 1 : i32
    %eq3A_22 = arith.cmpi eq, %arg0, %eq3A_21 : i32
    %eq3A_23 = arith.constant 0 : i32
    %eq3A_24 = arith.cmpi eq, %arg1, %eq3A_23 : i32
    %and3A_25 = arith.andi %eq3A_22, %eq3A_24 : i1
    %convert_element_type3A_26 = arith.extui %and3A_25 : i1 to i32
    %cond3A_27 = arith.constant 0 : i32
    %cond3A_28 = arith.cmpi ne, %convert_element_type3A_26, %cond3A_27 : i32
    scf.if %cond3A_28 {
      %broadcast_in_dim3A = arith.constant -1.000000e+30 : f32
      %broadcast_in_dim3A_47 = vector.broadcast %broadcast_in_dim3A : f32 to vector<1x25088xf32>
      %swap3A = arith.constant 0 : index
      %swap3A_48 = arith.constant 0 : index
      %swap3A_49 = vector.load %arg9[%swap3A, %swap3A_48] : memref<1x25088xf32, #tpu.memory_space<vmem>>, vector<1x25088xf32>
      tpu.vector_store %arg9[%swap3A, %swap3A_48], %broadcast_in_dim3A_47 {strides = array<i32>} : memref<1x25088xf32, #tpu.memory_space<vmem>>, vector<1x25088xf32>,
      %broadcast_in_dim3A_50 = arith.constant 0.000000e+00 : f32
      %broadcast_in_dim3A_51 = vector.broadcast %broadcast_in_dim3A_50 : f32 to vector<1x25088xf32>
      %swap3A_52 = arith.constant 0 : index
      %swap3A_53 = arith.constant 0 : index
      %swap3A_54 = vector.load %arg10[%swap3A_52, %swap3A_53] : memref<1x25088xf32, #tpu.memory_space<vmem>>, vector<1x25088xf32>
      tpu.vector_store %arg10[%swap3A_52, %swap3A_53], %broadcast_in_dim3A_51 {strides = array<i32>} : memref<1x25088xf32, #tpu.memory_space<vmem>>, vector<1x25088xf32>,
    } else {
    }
    %eq3A_29 = arith.constant 1 : i32
    %eq3A_30 = arith.cmpi eq, %arg0, %eq3A_29 : i32
    %convert_element_type3A_31 = arith.extui %eq3A_30 : i1 to i32
    %cond3A_32 = arith.constant 0 : i32
    %cond3A_33 = arith.cmpi ne, %convert_element_type3A_31, %cond3A_32 : i32
    scf.if %cond3A_33 {
      %get3A = arith.constant 0 : index
      %get3A_47 = arith.constant 0 : index
      %get3A_48 = vector.load %arg8[%get3A, %get3A_47] : memref<1x64xf32, #tpu.memory_space<vmem>>, vector<1x64xf32>
      %mul3A_49 = arith.constant 6.10351563E-5 : f32
      %mul3A_50 = vector.broadcast %mul3A_49 : f32 to vector<1x64xf32>
      %mul3A_51 = arith.mulf %get3A_48, %mul3A_50 : vector<1x64xf32>
      %get3A_52 = arith.constant 0 : index
      %get3A_53 = arith.constant 0 : index
      %get3A_54 = vector.load %arg5[%get3A_52, %get3A_53] : memref<64x25088xf32, #tpu.memory_space<vmem>>, vector<64x25088xf32>
      %dot_general3A = arith.constant dense<0.000000e+00> : vector<1x25088xf32>
      %dot_general3A_55 = tpu.matmul %mul3A_51, %get3A_54, %dot_general3A {dimension_numbers = #tpu.dot_dimension_numbers<[1], [0], [0], [1], [0, 0, 1, 1], [], []>, transpose_lhs_hint = false} : vector<1x64xf32>, vector<64x25088xf32>, vector<1x25088xf32> -> vector<1x25088xf32>
      %get3A_56 = arith.constant 0 : index
      %get3A_57 = arith.constant 0 : index
      %get3A_58 = vector.load %arg6[%get3A_56, %get3A_57] : memref<1x25088xf32, #tpu.memory_space<vmem>>, vector<1x25088xf32>
      %add3A = arith.addf %dot_general3A_55, %get3A_58 : vector<1x25088xf32>
      %lt3A_59 = vector.broadcast %sub3A_1 : i32 to vector<1x25088xi32>
      %lt3A_60 = arith.cmpi slt, %iota3A, %lt3A_59 : vector<1x25088xi32>
      %jit3A = arith.constant -1.000000e+30 : f32
      %broadcast_in_dim3A = vector.broadcast %jit3A : f32 to vector<1x25088xf32>
      %select_n3A = arith.select %lt3A_60, %add3A, %broadcast_in_dim3A : vector<1x25088xi1>, vector<1x25088xf32>
      %swap3A = arith.index_cast %arg1 : i32 to index
      %swap3A_61 = arith.constant 0 : index
      %swap3A_62 = arith.constant 0 : index
      %swap3A_63 = vector.load %arg11[%swap3A, %swap3A_61, %swap3A_62] : memref<4x1x25088xf32, #tpu.memory_space<vmem>>, vector<1x1x25088xf32>
      %swap3A_64 = vector.shape_cast %swap3A_63 : vector<1x1x25088xf32> to vector<1x25088xf32>
      %swap3A_65 = vector.shape_cast %select_n3A : vector<1x25088xf32> to vector<1x1x25088xf32>
      tpu.vector_store %arg11[%swap3A, %swap3A_61, %swap3A_62], %swap3A_65 {strides = array<i32>} : memref<4x1x25088xf32, #tpu.memory_space<vmem>>, vector<1x1x25088xf32>,
      %get3A_66 = arith.constant 0 : index
      %get3A_67 = arith.constant 0 : index
      %get3A_68 = vector.load %arg9[%get3A_66, %get3A_67] : memref<1x25088xf32, #tpu.memory_space<vmem>>, vector<1x25088xf32>
      %max3A = arith.maximumf %get3A_68, %select_n3A : vector<1x25088xf32>
      %get3A_69 = arith.constant 0 : index
      %get3A_70 = arith.constant 0 : index
      %get3A_71 = vector.load %arg10[%get3A_69, %get3A_70] : memref<1x25088xf32, #tpu.memory_space<vmem>>, vector<1x25088xf32>
      %sub3A_72 = arith.subf %get3A_68, %max3A : vector<1x25088xf32>
      %exp3A = math.exp %sub3A_72 : vector<1x25088xf32>
      %mul3A_73 = arith.mulf %get3A_71, %exp3A : vector<1x25088xf32>
      %sub3A_74 = arith.subf %select_n3A, %max3A : vector<1x25088xf32>
      %exp3A_75 = math.exp %sub3A_74 : vector<1x25088xf32>
      %add3A_76 = arith.addf %mul3A_73, %exp3A_75 : vector<1x25088xf32>
      %swap3A_77 = arith.constant 0 : index
      %swap3A_78 = arith.constant 0 : index
      %swap3A_79 = vector.load %arg10[%swap3A_77, %swap3A_78] : memref<1x25088xf32, #tpu.memory_space<vmem>>, vector<1x25088xf32>
      tpu.vector_store %arg10[%swap3A_77, %swap3A_78], %add3A_76 {strides = array<i32>} : memref<1x25088xf32, #tpu.memory_space<vmem>>, vector<1x25088xf32>,
      %swap3A_80 = arith.constant 0 : index
      %swap3A_81 = arith.constant 0 : index
      %swap3A_82 = vector.load %arg9[%swap3A_80, %swap3A_81] : memref<1x25088xf32, #tpu.memory_space<vmem>>, vector<1x25088xf32>
      tpu.vector_store %arg9[%swap3A_80, %swap3A_81], %max3A {strides = array<i32>} : memref<1x25088xf32, #tpu.memory_space<vmem>>, vector<1x25088xf32>,
    } else {
    }
    %eq3A_34 = arith.constant 2 : i32
    %eq3A_35 = arith.cmpi eq, %arg0, %eq3A_34 : i32
    %eq3A_36 = arith.constant 0 : i32
    %eq3A_37 = arith.cmpi eq, %arg1, %eq3A_36 : i32
    %and3A_38 = arith.andi %eq3A_35, %eq3A_37 : i1
    %convert_element_type3A_39 = arith.extui %and3A_38 : i1 to i32
    %cond3A_40 = arith.constant 0 : i32
    %cond3A_41 = arith.cmpi ne, %convert_element_type3A_39, %cond3A_40 : i32
    scf.if %cond3A_41 {
      %get3A = arith.constant 0 : index
      %get3A_47 = arith.constant 0 : index
      %get3A_48 = vector.load %arg9[%get3A, %get3A_47] : memref<1x25088xf32, #tpu.memory_space<vmem>>, vector<1x25088xf32>
      %reduce_max3A = vector.shape_cast %get3A_48 : vector<1x25088xf32> to vector<1x1x25088xf32>
      %reduce_max3A_49 = arith.constant dense<0xFF800000> : vector<1xf32>
      %reduce_max3A_50 = vector.multi_reduction <maximumf>, %reduce_max3A, %reduce_max3A_49 [1, 2] : vector<1x1x25088xf32> to vector<1xf32>
      %reduce_max3A_51 = vector.shape_cast %reduce_max3A_50 : vector<1xf32> to vector<1x1x1xf32>
      %reduce_max3A_52 = vector.extract %reduce_max3A_51[0, 0, 0] : f32 from vector<1x1x1xf32>
      %get3A_53 = arith.constant 0 : index
      %get3A_54 = arith.constant 0 : index
      %get3A_55 = vector.load %arg10[%get3A_53, %get3A_54] : memref<1x25088xf32, #tpu.memory_space<vmem>>, vector<1x25088xf32>
      %get3A_56 = arith.constant 0 : index
      %get3A_57 = arith.constant 0 : index
      %get3A_58 = vector.load %arg9[%get3A_56, %get3A_57] : memref<1x25088xf32, #tpu.memory_space<vmem>>, vector<1x25088xf32>
      %sub3A_59 = vector.broadcast %reduce_max3A_52 : f32 to vector<1x25088xf32>
      %sub3A_60 = arith.subf %get3A_58, %sub3A_59 : vector<1x25088xf32>
      %exp3A = math.exp %sub3A_60 : vector<1x25088xf32>
      %mul3A_61 = arith.mulf %get3A_55, %exp3A : vector<1x25088xf32>
      %reduce_sum3A = vector.shape_cast %mul3A_61 : vector<1x25088xf32> to vector<1x1x25088xf32>
      %reduce_sum3A_62 = arith.constant dense<0.000000e+00> : vector<1xf32>
      %reduce_sum3A_63 = vector.multi_reduction <add>, %reduce_sum3A, %reduce_sum3A_62 [1, 2] : vector<1x1x25088xf32> to vector<1xf32>
      %reduce_sum3A_64 = vector.shape_cast %reduce_sum3A_63 : vector<1xf32> to vector<1x1x1xf32>
      %reduce_sum3A_65 = vector.extract %reduce_sum3A_64[0, 0, 0] : f32 from vector<1x1x1xf32>
      %log3A = math.log %reduce_sum3A_65 : f32
      %add3A = arith.addf %reduce_max3A_52, %log3A : f32
      %swap3A = arith.constant 0 : index
      %swap3A_66 = memref.load %arg12[%swap3A] : memref<2xf32, #tpu.memory_space<smem>>
      memref.store %add3A, %arg12[%swap3A] : memref<2xf32, #tpu.memory_space<smem>>
    } else {
    }
    %eq3A_42 = arith.constant 2 : i32
    %eq3A_43 = arith.cmpi eq, %arg0, %eq3A_42 : i32
    %convert_element_type3A_44 = arith.extui %eq3A_43 : i1 to i32
    %cond3A_45 = arith.constant 0 : i32
    %cond3A_46 = arith.cmpi ne, %convert_element_type3A_44, %cond3A_45 : i32
    scf.if %cond3A_46 {
      %get3A = arith.index_cast %arg1 : i32 to index
      %get3A_47 = arith.constant 0 : index
      %get3A_48 = arith.constant 0 : index
      %get3A_49 = vector.load %arg11[%get3A, %get3A_47, %get3A_48] : memref<4x1x25088xf32, #tpu.memory_space<vmem>>, vector<1x1x25088xf32>
      %get3A_50 = vector.shape_cast %get3A_49 : vector<1x1x25088xf32> to vector<1x25088xf32>
      %get3A_51 = arith.constant 0 : index
      %get3A_52 = memref.load %arg12[%get3A_51] : memref<2xf32, #tpu.memory_space<smem>>
      %sub3A_53 = vector.broadcast %get3A_52 : f32 to vector<1x25088xf32>
      %sub3A_54 = arith.subf %get3A_50, %sub3A_53 : vector<1x25088xf32>
      %swap3A = arith.constant 0 : index
      %swap3A_55 = arith.constant 0 : index
      %swap3A_56 = vector.load %arg7[%swap3A, %swap3A_55] : memref<1x25088xf32, #tpu.memory_space<vmem>>, vector<1x25088xf32>
      tpu.vector_store %arg7[%swap3A, %swap3A_55], %sub3A_54 {strides = array<i32>} : memref<1x25088xf32, #tpu.memory_space<vmem>>, vector<1x25088xf32>,
    } else {
    }
    return
  }
  func.func @transform_0(%arg0: i32, %arg1: i32) -> (i32, i32) {
    %eq3A = arith.constant 0 : i32
    %eq3A_0 = arith.cmpi eq, %arg0, %eq3A : i32
    %jit3A = arith.constant 3 : i32
    %select_n3A = arith.select %eq3A_0, %arg1, %jit3A : i32
    %c0_i32 = arith.constant 0 : i32
    %c0_i32_1 = arith.constant 0 : i32
    return %c0_i32, %select_n3A : i32, i32
  }
  func.func @transform_1(%arg0: i32, %arg1: i32) -> (i32, i32) {
    %eq3A = arith.constant 0 : i32
    %eq3A_0 = arith.cmpi eq, %arg0, %eq3A : i32
    %jit3A = arith.constant 3 : i32
    %select_n3A = arith.select %eq3A_0, %arg1, %jit3A : i32
    %c0_i32 = arith.constant 0 : i32
    %c0_i32_1 = arith.constant 0 : i32
    return %c0_i32, %select_n3A : i32, i32
  }
  func.func @transform_2(%arg0: i32, %arg1: i32) -> (i32, i32) {
    %eq3A = arith.constant 0 : i32
    %eq3A_0 = arith.cmpi eq, %arg0, %eq3A : i32
    %jit3A = arith.constant 3 : i32
    %select_n3A = arith.select %eq3A_0, %arg1, %jit3A : i32
    %c0_i32 = arith.constant 0 : i32
    %c0_i32_1 = arith.constant 0 : i32
    return %c0_i32, %select_n3A : i32, i32
  }
  func.func @transform_3(%arg0: i32, %arg1: i32) -> (i32, i32) {
    %eq3A = arith.constant 1 : i32
    %eq3A_0 = arith.cmpi eq, %arg0, %eq3A : i32
    %eq3A_1 = arith.constant 0 : i32
    %eq3A_2 = arith.cmpi eq, %arg0, %eq3A_1 : i32
    %jit3A = arith.constant 0 : i32
    %jit3A_3 = arith.constant 3 : i32
    %select_n3A = arith.select %eq3A_2, %jit3A, %jit3A_3 : i32
    %select_n3A_4 = arith.select %eq3A_0, %arg1, %select_n3A : i32
    %c0_i32 = arith.constant 0 : i32
    %c0_i32_5 = arith.constant 0 : i32
    return %c0_i32, %select_n3A_4 : i32, i32
  }
  func.func @transform_4(%arg0: i32, %arg1: i32) -> (i32, i32) {
    %eq3A = arith.constant 1 : i32
    %eq3A_0 = arith.cmpi eq, %arg0, %eq3A : i32
    %jit3A = arith.constant 0 : i32
    %select_n3A = arith.select %eq3A_0, %arg1, %jit3A : i32
    %c0_i32 = arith.constant 0 : i32
    %c0_i32_1 = arith.constant 0 : i32
    return %c0_i32, %select_n3A : i32, i32
  }
  func.func @transform_5(%arg0: i32, %arg1: i32) -> (i32, i32) {
    %eq3A = arith.constant 2 : i32
    %eq3A_0 = arith.cmpi eq, %arg0, %eq3A : i32
    %jit3A = arith.constant 0 : i32
    %select_n3A = arith.select %eq3A_0, %arg1, %jit3A : i32
    %c0_i32 = arith.constant 0 : i32
    %c0_i32_1 = arith.constant 0 : i32
    return %c0_i32, %select_n3A : i32, i32
  }
}

</mosaic_0001>

<sc_bundles>
// kernel: kernel.4.cloned.1.call-start
scs
__scs_entry_jumppad:
0x0: {  	(pc) =	sbr.rel $0x88, $3  }
0x1: {  	(tag) =	ssettag $0x0;
	lr =	simm.s32 $0x1  }
0x2: {  	[smem:$0x3F9D] =	sst lr;
	_ =	strace $0xD0000000  }
0x3: {  	_ = 	snop  }
0x4: {  	_ = 	snop  }
0x5: {  	_ = 	snop  }
0x6: {  	_ = 	snop  }
0x7: {  	_ = 	snop  }
__scs_overlays_trampoline_lowered:
0x8: {  	[smem:$0x3FAC] =	sst s0  }
0x9: {  	[smem:$0x3FAD] =	sst s1  }
0xa: {  	[smem:$0x3FAE] =	sst s2  }
0xb: {  	[smem:$0x3FAF] =	sst s3  }
0xc: {  	[smem:$0x3FB0] =	sst s4  }
0xd: {  	[smem:$0x3FB1] =	sst s5  }
0xe: {  	[smem:$0x3FB2] =	sst s6  }
0xf: {  	[smem:$0x3FB3] =	sst s7  }
0x10: {  	[smem:$0x3FB4] =	sst s8  }
0x11: {  	[smem:$0x3FB5] =	sst s9;
	s0 =	simm.s32 @!p0 $0x0  }
0x12: {  	s1 =	sld [smem:$0x3F9B];
	s0 =	simm.s32 @p0 $0x1  }
0x13: {  	[smem:$0x3FB6] =	sst s0;
	s0 =	simm.s32 @!p1 $0x0  }
0x14: {  	s2 =	sld [smem:$0x3F9A];
	s0 =	simm.s32 @p1 $0x1  }
0x15: {  	[smem:$0x3FB7] =	sst s0;
	s0 =	simm.s32 @!p2 $0x0  }
0x16: {  	s3 =	sld [smem:$0x3FDB];
	s0 =	simm.s32 @p2 $0x1  }
0x17: {  	s4 =	simm.s32 $0x1BF5;
	[smem:$0x3FB9] =	sst s0  }
0x18: {  	s0 =	sld [smem:$0x3F9C];
	_ =	swait.ge [sflag:s4], $0x0  }
0x19: {  	s7 =	sld [smem:$0x3F9D]  }
0x1a: {  	s8 =	sadd.s32 $0xFFFFE003, lr  }
0x1b: {  	s9 =	sadd.s32 $0xFFFFFEF7, lr;
	s5 =	simm.s32 $0xFFFFFFFF;
	p2 =	slt.u32 s8, $0xFFFFF086  }
0x1c: {  	p1 =	slt.u32 s9, $0xF7A;
	s5 =	simm.s32 @!p2 $0x0  }
0x1d: {  	s5 =	simm.s32 @p1 $0x1;
	p0 =	seq.s32 s7, s2  }
0x1e: {  	s7 =	smul.u32 @!p0 $0xF7A, s2;
	p2 =	seq.s32 @!p0 s5, $0x0  }
0x1f: {  	s9 =	smul.u32 $0xF7A, s1;
	s8 =	simm.s32 @!p0 $0x1BF5;
	p2 =	por !p2, p0  }
0x20: {  	[sflag:s8] =	ssyncset.s32 @!p0 $0xFFFFF086;
	s6 =	sadd.s32 @!p0 s3, s7;
	s7 =	simm.s32 @!p0 $0x108  }
0x21: {  	s3 =	sadd.s32 s3, s9;
	s6 =	sadd.s32 @!p0 $0x88, s6;
	s7 =	simm.s32 @p2 $0x1082  }
0x22: {  	[simem:s7], [sflag:s8] =	dma.local @!p0 [hbm:s6], $0xF7A  }
0x23: {  	s9 =	sor.u32 $0xD0000000, s2;
	s6 =	simm.s32 $0x108;
	_ =	swait.ge @!p0 [sflag:s8], $0x0  }
0x24: {  	s3 =	sadd.s32 $0x88, s3;
	s6 =	simm.s32 @!p1 $0x1082;
	[sflag:s4] =	ssyncset.s32 $0xFFFFF086  }
0x25: {  	[simem:s6], [sflag:s4] =	dma.local [hbm:s3], $0xF7A  }
0x26: {  	[smem:$0x3F9D] =	sst s1;
	(tag) =	ssettag s2;
	_ =	strace s9  }
0x27: {  	s1 =	sld [smem:$0x3FAD]  }
0x28: {  	s2 =	sld [smem:$0x3FAE]  }
0x29: {  	s4 =	sld [smem:$0x3FB0]  }
0x2a: {  	p0 =	seq.s32 s5, $0x0;
	s5 =	sld [smem:$0x3FB1]  }
0x2b: {  	s6 =	sld [smem:$0x3FB2]  }
0x2c: {  	s7 =	sld [smem:$0x3FB3]  }
0x2d: {  	s3 =	simm.s32 $0x108;
	s8 =	sld [smem:$0x3FB4]  }
0x2e: {  	s3 =	simm.s32 @!p0 $0x1082;
	s9 =	sld [smem:$0x3FB5]  }
0x2f: {  	lr =	sadd.s32 s0, s3;
	s0 =	sld [smem:$0x3FAC]  }
0x30: {  	s3 =	sld [smem:$0x3FAF]  }
0x31: {  	[smem:$0x3FB8] =	sst s10  }
0x32: {  	s10 =	sld [smem:$0x3FB6];
	_ =	sdelay $0x3  }
0x33: {  	p0 =	seq.s32 s10, $0x1;
	s10 =	sld [smem:$0x3FB8];
	_ =	sdelay $0x3  }
0x34: {  	[smem:$0x3FB8] =	sst s10  }
0x35: {  	s10 =	sld [smem:$0x3FB7];
	_ =	sdelay $0x3  }
0x36: {  	p1 =	seq.s32 s10, $0x1;
	s10 =	sld [smem:$0x3FB8];
	_ =	sdelay $0x3  }
0x37: {  	[smem:$0x3FB8] =	sst s10  }
0x38: {  	s10 =	sld [smem:$0x3FB9]  }
0x39: {  	_ = 	snop;
	(pc) =	sbr.ind lr, $3  }
0x3a: {  	_ = 	snop  }
0x3b: {  	_ = 	snop  }
0x3c: {  	p2 =	seq.s32 s10, $0x1;
	s10 =	sld [smem:$0x3FB8]  }
0x3d: {  	_ =	shalt  }
0x3e: {  	_ =	shalt  }
0x3f: {  	_ =	shalt  }
0x40: {  	_ =	shalt  }
0x41: {  	_ =	shalt  }
0x42: {  	_ =	shalt  }
0x43: {  	_ =	shalt  }
0x44: {  	_ =	shalt  }
0x45: {  	_ =	shalt  }
0x46: {  	_ =	shalt  }
0x47: {  	_ =	shalt  }
0x48: {  	_ =	shalt  }
0x49: {  	_ =	shalt  }
0x4a: {  	_ =	shalt  }
0x4b: {  	_ =	shalt  }
0x4c: {  	_ =	shalt  }
0x4d: {  	_ =	shalt  }
0x4e: {  	_ =	shalt  }
0x4f: {  	_ =	shalt  }
0x50: {  	_ =	shalt  }
0x51: {  	_ =	shalt  }
0x52: {  	_ =	shalt  }
0x53: {  	_ =	shalt  }
0x54: {  	_ =	shalt  }
0x55: {  	_ =	shalt  }
0x56: {  	_ =	shalt  }
0x57: {  	_ =	shalt  }
0x58: {  	_ =	shalt  }
0x59: {  	_ =	shalt  }
0x5a: {  	_ =	shalt  }
0x5b: {  	_ =	shalt  }
0x5c: {  	_ =	shalt  }
0x5d: {  	_ =	shalt  }
0x5e: {  	_ =	shalt  }
0x5f: {  	_ =	shalt  }
0x60: {  	_ =	shalt  }
0x61: {  	_ =	shalt  }
0x62: {  	_ =	shalt  }
0x63: {  	_ =	shalt  }
0x64: {  	_ =	shalt  }
0x65: {  	_ =	shalt  }
0x66: {  	_ =	shalt  }
0x67: {  	_ =	shalt  }
0x68: {  	_ =	shalt  }
0x69: {  	_ =	shalt  }
0x6a: {  	_ =	shalt  }
0x6b: {  	_ =	shalt  }
0x6c: {  	_ =	shalt  }
0x6d: {  	_ =	shalt  }
0x6e: {  	_ =	shalt  }
0x6f: {  	_ =	shalt  }
0x70: {  	_ =	shalt  }
0x71: {  	_ =	shalt  }
0x72: {  	_ =	shalt  }
0x73: {  	_ =	shalt  }
0x74: {  	_ =	shalt  }
0x75: {  	_ =	shalt  }
0x76: {  	_ =	shalt  }
0x77: {  	_ =	shalt  }
0x78: {  	_ =	shalt  }
0x79: {  	_ =	shalt  }
0x7a: {  	_ =	shalt  }
0x7b: {  	_ =	shalt  }
0x7c: {  	_ =	shalt  }
0x7d: {  	_ =	shalt  }
0x7e: {  	_ =	shalt  }
0x7f: {  	_ =	shalt  }
0x80: {  	_ =	shalt  }
0x81: {  	_ =	shalt  }
0x82: {  	_ =	shalt  }
0x83: {  	_ =	shalt  }
0x84: {  	_ =	shalt  }
0x85: {  	_ =	shalt  }
0x86: {  	_ =	shalt  }
0x87: {  	_ =	shalt  }
.Lfunc_end0:
.L_simem_size_0:
called_computation_lowered:
.L_overlay_start_0:
0x88: {  	s2 =	sld [smem:$0x3FD9]  }
0x89: {  	s3 =	sld [smem:$0x3FFE];
	_ =	sdelay $0x1  }
0x8a: {  	s1 =	srdreg.scid  }
0x8b: {  	s0 =	sand.u32 $0x1, s1  }
0x8c: {  	s17 =	sshll.u32 s0, $0xA;
	s2 =	sadd.s32 s3, s2  }
0x8d: {  	s2 =	sadd.s32 s2, s17  }
0x8e: {  	[smem:$0x3FC4] =	sst s2  }
0x8f: {  	_ = 	snop  }
0x90: {  	s2 =	sld [smem:$0x3FC9];
	(tm) =	ssettm $0x1  }
0x91: {  	s18 =	sld [smem:$0x3FFB];
	_ =	sdelay $0x3  }
0x92: {  	_ =	strace s18  }
0x93: {  	s3 =	sld [smem:$0x3FFC];
	_ =	sdelay $0x3  }
0x94: {  	_ =	strace s3  }
0x95: {  	s3 =	sld [smem:$0x3FFD];
	_ =	sdelay $0x3  }
0x96: {  	_ =	strace s3  }
0x97: {  	_ =	strace $0x8FFFFFFF  }
0x98: {  	s19 =	sld [smem:$0x3FDB];
	_ =	sdelay $0x1  }
0x99: {  	s4 =	simm.s32 $_scs_section_size  }
0x9a: {  	s5 =	simm.s32 $_size__tile_overlayer_lowered;
	s6 =	simm.s32 $_tile_overlayer_lowered  }
0x9b: {  	s22 =	simm.s32 $0x1BFF;
	s21 =	sshll.u32 s6, $0x1;
	s3 =	sadd.s32 s4, s19  }
0x9c: {  	s7 =	simm.s32 $0x0;
	s20 =	sshll.u32 s5, $0x1;
	s5 =	sadd.s32 s21, s3  }
0x9d: {  	[timem:s7], [sflag:s22] =	dma.local [hbm:s5], s20  }
0x9e: {  	_ =	swait.ge [sflag:s22], s20  }
0x9f: {  	s4 =	ssub.s32 $0x0, s20;
	[sflag:s22] =	ssyncset.done $0x0  }
0xa0: {  	[sflag:s22] =	ssyncadd.s32 s4;
	_ =	sdelay $0x1  }
0xa1: {  	s23 =	simm.s32 $0x1B8B  }
0xa2: {  	_ =	swait.ge [sflag:s23], $0x1  }
0xa3: {  	[sflag:s23] =	ssyncset.done $0x0  }
0xa4: {  	s25 =	simm.s32 $0x1B8E;
	s24 =	sld [smem:$0x3FFE];
	[sflag:s23] =	ssyncadd.s32 $0xFFFFFFFF  }
0xa5: {  	s26 =	simm.s32 $execute0_lowered;
	[smem:$0x3FD2] =	sst s25  }
0xa6: {  	s5 =	sshll.u32 s26, $0x1;
	_ =	strace $0x80000046;
	[dreg:$0x1] =	wrdreg $0xFFFFFFFF  }
0xa7: {  	s28 =	simm.s32 $_size_execute0_lowered;
	s3 =	sadd.s32 s3, s5;
	[dreg:$0x0] =	wrdreg $0x0  }
0xa8: {  	s5 =	sshll.u32 s28, $0x1;
	[dreg:$0x2] =	wrdreg s3  }
0xa9: {  	[dreg:$0x3] =	wrdreg s5  }
0xaa: {  	[dreg:$0x4] =	wrdreg $0xC0  }
0xab: {  	_ =	task [dreg:s7], $0x5FFFF  }
0xac: {  	[dreg:$0x1] =	wrdreg $0xFFFFFFFF  }
0xad: {  	[dreg:$0x0] =	wrdreg $0x60  }
0xae: {  	[dreg:$0x2] =	wrdreg s2  }
0xaf: {  	[dreg:$0x3] =	wrdreg s24  }
0xb0: {  	[dreg:$0x4] =	wrdreg $0x1B000  }
0xb1: {  	[dreg:$0x5] =	wrdreg $0x9  }
0xb2: {  	_ =	task.clear_ibuf [dreg:s7], $0x6FFFF;
	_ =	strace $0x90000046  }
0xb3: {  	s29 =	simm.s32 $0x9;
	_ =	strace $0x80000048  }
0xb4: {  	_ =	swait.ge [sflag:s29], $0x1  }
0xb5: {  	[sflag:s29] =	ssyncadd.s32 $0xFFFFFFFF  }
0xb6: {  	_ =	strace $0x90000048  }
0xb7: {  	_ =	sfence  }
0xb8: {  	s30 =	sld [smem:$0x0];
	_ =	sdelay $0x2  }
0xb9: {  	s31 =	sshll.u32 s1, $0xD;
	s1 =	sshrl.u32 s1, $0x2  }
0xba: {  	s3 =	sand.u32 $0x4000, s31;
	s1 =	sadd.s32 s1, s30  }
0xbb: {  	s0 =	sor.u32 s3, s0;
	s1 =	sshll.u32 s1, $0x11  }
0xbc: {  	s0 =	sor.u32 s1, s0  }
0xbd: {  	s0 =	sadd.s32 $0x8F2B, s0  }
0xbe: {  	[sflag:s0] =	ssyncadd.remote.s32 $0x1  }
0xbf: {  	_ =	sfence.sel $0xFFFF  }
0xc0: {  	[dreg:$0x0] =	wrdreg $0xFFFFFFFF;
	(pc) =	sbr.abs _section_cstart, $3  }
0xc1: {  	[dreg:$0x1] =	wrdreg $0xFFFFFFFF  }
0xc2: {  	_ =	task.clear_ibuf [dreg:s7], $0x2FFFF;
	_ =	strace $0x9FFFFFFF  }
0xc3: {  	(tm) =	ssettm $0x7FFFFFFF  }
tec
execute0_lowered:
.L_overlay_start_1:
0x0: {  	(tag) =	ssettag $0x1  }
0x1: {  	s4 =	rddreg [dreg:$0x0]  }
0x2: {  	s10 =	rddreg [dreg:$0x1]  }
0x3: {  	s2 =	rddreg [dreg:$0x2];
	s3 =	srdreg.scid  }
0x4: {  	s0 =	rddreg [dreg:$0x3];
	s1 =	stileid.u32;
	s12 =	simm.s32 $0x3A00  }
0x5: {  	s13 =	simm.s32 $0x180;
	s14 =	simm.s32 $0x200;
	s15 =	simm.s32 $0x2  }
0x6: {  	s16 =	simm.s32 $0x1;
	s17 =	simm.s32 $0x1A80;
	s20 =	simm.s32 $0x0  }
0x7: {  	s7 =	sand.u32 $0x1, s3;
	s3 =	simm.s32 $0x0;
	s5 =	sshll.u32 s1, $0x7  }
0x8: {  	s11 =	smul.u32 $0x1880, s1;
	s18 =	sshll.u32 s1, $0x6;
	s6 =	sshll.u32 s7, $0x6  }
0x9: {  	[smem:$0x7FF] =	sst s3;
	s8 =	ssub.s32 $0x2, s7;
	p0 =	seq.s32 s7, $0x1  }
0xa: {  	s18 =	sor.u32 $0x1C02, s18;
	s5 =	sor.u32 s6, s5;
	_ =	strace $0x80000047  }
0xb: {  	s31 =	sshrl.u32 s8, $0x1;
	s12 =	simm.s32 @!p0 $0x800;
	s4 =	sadd.s32 s4, s5  }
0xc: {  	s9 =	ssub.s32 s8, s31;
	s8 =	sadd.s32 s11, s2;
	s11 =	sshrl.u32 s11, $0x3  }
0xd: {  	s10 =	sadd.s32 s12, s10;
	s12 =	simm.s32 $0x100;
	s5 =	sadd.s32 $0x10, s4  }
0xe: {  	s6 =	sadd.s32 $0x20, s4;
	s7 =	sadd.s32 $0x30, s4;
	s9 =	smax.u32 s9, $0x1  }
0xf: {  	v0 =	vimm.f32 $0.0e+00;
	v1 =	vimm.f32 $1.000000000e+00;
	s10 =	sadd.s32 s10, s11;
	s11 =	simm.s32 $0x80;
	s19 =	sshrl.u32 s8, $0x3  }
.LBB2_1:
0x10: {  	[tilespmem:s3], [sflag:$0x1] =	stream.linear.gather [hbm4b:s4+s3], $0x80, $0x38;
	[tilespmem:$0x3380] =	vst v63  }
0x11: {  	_ = 	snop  }
0x12: {  	[tilespmem:s11], [sflag:$0x1] =	stream.linear.gather [hbm4b:s5+s3], $0x80, $0x38;
	[tilespmem:$0x3380] =	vst v63  }
0x13: {  	_ = 	snop  }
0x14: {  	[tilespmem:s12], [sflag:$0x1] =	stream.linear.gather [hbm4b:s6+s3], $0x80, $0x38;
	[tilespmem:$0x3380] =	vst v63  }
0x15: {  	s21 =	simm.s32 $0x0;
	s22 =	simm.s32 $0x200  }
0x16: {  	[tilespmem:s13], [sflag:$0x1] =	stream.linear.gather [hbm4b:s7+s3], $0x80, $0x38;
	[tilespmem:$0x3380] =	vst v63  }
.LBB2_2:
0x17: {  	p0 =	sne.s32 s22, $0x6000;
	[tilespmem:s21+$0x270] =	vst v0  }
0x18: {  	[tilespmem:s21+$0x200] =	vst v0  }
0x19: {  	[tilespmem:s21+$0x210] =	vst v0  }
.Ltmp0:
0x1a: {  	[tilespmem:s21+$0x220] =	vst v0;
	(pc) =	sbr.rel @p0 .LBB2_2-.Ltmp0, $4  }
0x1b: {  	[tilespmem:s21+$0x230] =	vst v0  }
0x1c: {  	[tilespmem:s21+$0x240] =	vst v0  }
0x1d: {  	[tilespmem:s21+$0x250] =	vst v0  }
0x1e: {  	[tilespmem:s21+$0x260] =	vst v0;
	s21 =	sshra.s32 s22, $0x2;
	s22 =	sadd.s32 $0x200, s22  }
0x1f: {  	[tilespmem:s21+$0x270] =	vst v0  }
0x20: {  	[tilespmem:s21+$0x200] =	vst v0  }
0x21: {  	[tilespmem:s21+$0x210] =	vst v0  }
0x22: {  	[tilespmem:s21+$0x220] =	vst v0  }
0x23: {  	[tilespmem:s21+$0x230] =	vst v0  }
0x24: {  	[tilespmem:s21+$0x240] =	vst v0  }
0x25: {  	[tilespmem:s21+$0x250] =	vst v0  }
0x26: {  	[tilespmem:s21+$0x260] =	vst v0  }
0x27: {  	[tilespmem:$0x1A80] =	vst v1  }
0x28: {  	[tilespmem:$0x1A90] =	vst v1  }
0x29: {  	[tilespmem:$0x1AA0] =	vst v1  }
0x2a: {  	[tilespmem:$0x1AB0] =	vst v1  }
0x2b: {  	[tilespmem:$0x1AC0] =	vst v1  }
0x2c: {  	[tilespmem:$0x1AD0] =	vst v1  }
0x2d: {  	[tilespmem:$0x1AE0] =	vst v1  }
0x2e: {  	[tilespmem:$0x1AF0] =	vst v1  }
0x2f: {  	[spmem:s8] =	stream.linear.scatter [tilespmem:s14], [sflag:$0x2], $0x1880, $0x38;
	[tilespmem:$0x3380] =	vst v63  }
0x30: {  	_ =	swait.ge [sflag:s15], $0x1880  }
0x31: {  	[sflag:s15] =	ssyncset.done $0x0  }
0x32: {  	[sflag:s15] =	ssyncadd.s32 $0xFFFFE780  }
0x33: {  	_ =	swait.ge [sflag:s16], $0x80  }
0x34: {  	[sflag:s16] =	ssyncset.done $0x0  }
0x35: {  	[sflag:s16] =	ssyncadd.s32 $0xFFFFFF80  }
0x36: {  	_ =	swait.ge [sflag:s16], $0x80  }
0x37: {  	[sflag:s16] =	ssyncset.done $0x0  }
0x38: {  	[sflag:s16] =	ssyncadd.s32 $0xFFFFFF80  }
0x39: {  	_ =	swait.ge [sflag:s16], $0x80  }
0x3a: {  	[sflag:s16] =	ssyncset.done $0x0  }
0x3b: {  	[sflag:s16] =	ssyncadd.s32 $0xFFFFFF80  }
0x3c: {  	_ =	swait.ge [sflag:s16], $0x80  }
0x3d: {  	[sflag:s16] =	ssyncset.done $0x0  }
0x3e: {  	[sflag:s16] =	ssyncadd.s32 $0xFFFFFF80  }
0x3f: {  	[bflag:$0x0] =	sbarrier.arrive $0xFFFF  }
0x40: {  	[spmem:s2] =	stream.indirect.scatter.add.f32 [tilespmem:s17], [sflag:$0x2], $0x1, s3, s11, $0xb8;
	[tilespmem:$0x3380] =	vst v63  }
0x41: {  	_ =	swait.ge [sflag:s15], $0x80  }
0x42: {  	[sflag:s15] =	ssyncset.done $0x0  }
0x43: {  	[sflag:s15] =	ssyncadd.s32 $0xFFFFFF80  }
0x44: {  	[spmem:s2] =	stream.indirect.scatter.add.f32 [tilespmem:s17], [sflag:$0x2], $0x1, s11, s11, $0xb8;
	[tilespmem:$0x3380] =	vst v63  }
0x45: {  	_ =	swait.ge [sflag:s15], $0x80  }
0x46: {  	[sflag:s15] =	ssyncset.done $0x0  }
0x47: {  	[sflag:s15] =	ssyncadd.s32 $0xFFFFFF80  }
0x48: {  	[spmem:s2] =	stream.indirect.scatter.add.f32 [tilespmem:s17], [sflag:$0x2], $0x1, s12, s11, $0xb8;
	[tilespmem:$0x3380] =	vst v63  }
0x49: {  	_ =	swait.ge [sflag:s15], $0x80  }
0x4a: {  	[sflag:s15] =	ssyncset.done $0x0  }
0x4b: {  	[sflag:s15] =	ssyncadd.s32 $0xFFFFFF80  }
0x4c: {  	[spmem:s2] =	stream.indirect.scatter.add.f32 [tilespmem:s17], [sflag:$0x2], $0x1, s13, s11, $0xb8;
	[tilespmem:$0x3380] =	vst v63  }
0x4d: {  	_ =	swait.ge [sflag:s15], $0x80  }
0x4e: {  	s20 =	sadd.s32 $0x1, s20;
	[sflag:s15] =	ssyncset.done $0x0  }
0x4f: {  	p0 =	sne.s32 s20, s9;
	[sflag:s15] =	ssyncadd.s32 $0xFFFFFF80  }
.Ltmp1:
0x50: {  	[bflag:$0x0] =	sbarrier.arrive $0xFFFF;
	(pc) =	sbr.rel @p0 .LBB2_1-.Ltmp1, $4  }
0x51: {  	[hbm:s10], [sflag:s18] =	dma.local [spmem:s19], $0x310  }
0x52: {  	_ =	swait.ge [sflag:s15], $0x310  }
0x53: {  	[sflag:s15] =	ssyncset.done $0x0  }
0x54: {  	[sflag:s15] =	ssyncadd.s32 $0xFFFFFCF0  }
0x55: {  	_ =	sfence.sel $0x180000  }
0x56: {  	[bflag:$0x0] =	sbarrier.arrive $0xFFFF  }
0x57: {  	p0 =	sne.s32 s1, $0x0;
	_ =	strace $0x90000047  }
0x58: {  	s0 =	sadd.s32 @!p0 $0x100000, s0;
	[bflag:$0x2] =	sbarrier.arrive $0xFFFF  }
0x59: {  	[sflag:s0] =	ssyncadd.tile.s32 @!p0 $0x1;
	_ =	shalt  }
.Lfunc_end2:
_tile_overlayer_lowered:
.L_overlay_start_2:
0x5a: {  	(tag) =	ssettag $0x2  }
0x5b: {  	s0 =	rddreg [dreg:$0x0];
	s2 =	stileid.u32  }
0x5c: {  	s1 =	rddreg [dreg:$0x1];
	p0 =	sne.s32 s2, $0x0  }
0x5d: {  	s3 =	rddreg [dreg:$0x2];
	[bflag:$0x3] =	sbarrier.arrive $0xFFFF;
	s2 =	simm.s32 @!p0 $0x1C02  }
0x5e: {  	[timem:s3], [sflag:s2] =	dma.local @!p0 [hbm:s0], s1  }
0x5f: {  	s0 =	simm.s32 @!p0 $0x2  }
0x60: {  	_ =	swait.ge @!p0 [sflag:s0], s1  }
0x61: {  	s1 =	ssub.s32 @!p0 $0x0, s1;
	[sflag:s0] =	ssyncset.done @!p0 $0x0  }
0x62: {  	[sflag:s0] =	ssyncadd.s32 @!p0 s1  }
0x63: {  	[bflag:$0x3] =	sbarrier.arrive $0xFFFF  }
0x64: {  	_ =	shalt  }

</sc_bundles>
